<compile_context>
chip_gen: v7x
topology: tpu7x:2x2x1
jax: 0.10.2.dev20260603
libtpu: 0.0.44.dev20260713+nightly
codegen_flags: <defaults>
</compile_context>

<pallas_src>
import functools

import jax
import jax.numpy as jnp
from jax import lax
from jax.experimental import pallas as pl
from jax.experimental.pallas import tpu as pltpu
from jax.experimental.pallas import tpu_sc as plsc

B = 4096
FD = 13
FS = 26
V = 100000
D = 16
H1, H2, H3 = 256, 128, 64
OUT = 10

NC, NS = 2, 16
NW = NC * NS
P2 = FS * D
PPW = P2 // NW
NCHUNK = B // 16


def _sc_gather(tab2_hbm, tab1_hbm, idx_hbm, g2t_hbm, g1t_hbm,
               plane_v, idx_v, vals_v, psem, isem, osem):
    wid = lax.axis_index("s") * NC + lax.axis_index("c")

    def gather_plane(_, carry):
        def inner(c, carry2):
            v = idx_v[pl.ds(c * 16, 16)]
            vals_v[pl.ds(c * 16, 16)] = plsc.load_gather(plane_v, [v])
            return carry2
        lax.fori_loop(0, NCHUNK, inner, carry)

    def do_plane2(p, carry):
        pltpu.async_copy(idx_hbm.at[p // D], idx_v, isem)
        pltpu.async_copy(tab2_hbm.at[p], plane_v, psem)
        pltpu.make_async_copy(idx_hbm.at[p // D], idx_v, isem).wait()
        pltpu.make_async_copy(tab2_hbm.at[p], plane_v, psem).wait()
        @pl.when(p > wid * PPW)
        def _():
            pltpu.make_async_copy(vals_v, g2t_hbm.at[p - 1], osem).wait()
        gather_plane(p, carry)
        pltpu.async_copy(vals_v, g2t_hbm.at[p], osem)
        return carry

    lax.fori_loop(wid * PPW, (wid + 1) * PPW, do_plane2, 0)
    pltpu.make_async_copy(vals_v, g2t_hbm.at[0], osem).wait()

    @pl.when(wid < FS)
    def _():
        pltpu.async_copy(idx_hbm.at[wid], idx_v, isem)
        pltpu.async_copy(tab1_hbm.at[wid, 0], plane_v, psem)
        pltpu.make_async_copy(idx_hbm.at[wid], idx_v, isem).wait()
        pltpu.make_async_copy(tab1_hbm.at[wid, 0], plane_v, psem).wait()
        gather_plane(wid, 0)
        pltpu.sync_copy(vals_v, g1t_hbm.at[wid])


@functools.cache
def _sc_gather_call():
    return functools.partial(
        pl.kernel,
        mesh=plsc.VectorSubcoreMesh(core_axis_name="c", subcore_axis_name="s"),
        compiler_params=pltpu.CompilerParams(needs_layout_passes=False),
        out_type=[
            jax.ShapeDtypeStruct((P2, B), jnp.float32),
            jax.ShapeDtypeStruct((FS, B), jnp.float32),
        ],
        scratch_types=[
            pltpu.VMEM((V,), jnp.float32),
            pltpu.VMEM((B,), jnp.int32),
            pltpu.VMEM((B,), jnp.float32),
            pltpu.SemaphoreType.DMA,
            pltpu.SemaphoreType.DMA,
            pltpu.SemaphoreType.DMA,
        ],
    )(_sc_gather)


def _tc_dense(g2t_ref, g1t_ref, denset_ref, w1at_ref, w1bt_ref, b1_ref,
              w2t_ref, b2_ref, w3t_ref, b3_ref, wft_ref, bf_ref,
              wdt_ref, bd_ref, out_ref):
    f32 = jnp.float32
    g2t = g2t_ref[...]
    denset = denset_ref[...]
    r = lax.broadcasted_iota(jnp.int32, (D, P2), 1)
    c = lax.broadcasted_iota(jnp.int32, (D, P2), 0)
    sel = (r % D == c).astype(f32)
    sum_e = jnp.dot(sel, g2t, preferred_element_type=f32)
    se2 = jnp.dot(jnp.ones((8, D), f32), sum_e * sum_e,
                  preferred_element_type=f32)[:1]
    sq = jnp.dot(jnp.ones((8, P2), f32), g2t * g2t,
                 preferred_element_type=f32)[:1]
    fm2 = 0.5 * (se2 - sq)
    fm1 = (jnp.dot(jnp.ones((8, FS), f32), g1t_ref[...],
                   preferred_element_type=f32)[:1]
           + jnp.dot(wdt_ref[...], denset, preferred_element_type=f32)
           + bd_ref[...])
    h = jnp.dot(w1at_ref[...], g2t, preferred_element_type=f32)
    h += jnp.dot(w1bt_ref[...], denset, preferred_element_type=f32)
    h = jnp.maximum(h + b1_ref[...], 0.0)
    h = jnp.maximum(jnp.dot(w2t_ref[...], h, preferred_element_type=f32)
                    + b2_ref[...], 0.0)
    h = jnp.maximum(jnp.dot(w3t_ref[...], h, preferred_element_type=f32)
                    + b3_ref[...], 0.0)
    dnn = jnp.dot(wft_ref[...], h, preferred_element_type=f32) + bf_ref[...]
    out_ref[...] = dnn + fm1 + fm2


def _tc_call(g2t, g1t, denset, w1at, w1bt, b1t, w2t, b2t, w3t, b3t,
             wft, bft, wdt, bdt):
    BB = 2048
    grid = (B // BB,)
    col_spec = lambda rows: pl.BlockSpec((rows, BB), lambda i: (0, i))
    full = lambda a: pl.BlockSpec(a.shape, lambda i: (0,) * a.ndim)
    return pl.pallas_call(
        _tc_dense,
        grid=grid,
        in_specs=[
            col_spec(P2), col_spec(FS), col_spec(FD),
            full(w1at), full(w1bt), full(b1t), full(w2t), full(b2t),
            full(w3t), full(b3t), full(wft), full(bft), full(wdt), full(bdt),
        ],
        out_specs=col_spec(OUT),
        out_shape=jax.ShapeDtypeStruct((OUT, B), jnp.float32),
    )(g2t, g1t, denset, w1at, w1bt, b1t, w2t, b2t, w3t, b3t, wft, bft, wdt, bdt)


def kernel(target_x, emb1, emb2, Wd, bd, W1, b1, W2, b2, W3, b3, Wf, bf):
    denset = target_x[:, :FD].T
    idx_t = target_x[:, FD:].astype(jnp.int32).T
    tab2 = emb2.transpose(0, 2, 1).reshape(P2, V)
    tab1 = emb1.transpose(0, 2, 1)
    g2t, g1t = _sc_gather_call()(tab2, tab1, idx_t)
    out_t = _tc_call(
        g2t, g1t, denset,
        W1[:P2].T, W1[P2:].T, b1.reshape(H1, 1),
        W2.T, b2.reshape(H2, 1), W3.T, b3.reshape(H3, 1),
        Wf.T, bf.reshape(OUT, 1), Wd.T, bd.reshape(1, 1),
    )
    return out_t.T

# --- scband reference (transcript-rebuilt; emitter-appended) ---
"""Pipeline reference for scband-deep-fm-54984171324011 (READ-ONLY COPY).

The authoritative reference and input builder live on the scoring server;
editing this copy changes nothing except your own understanding.
"""

import jax, jax.numpy as jnp
import numpy as np

B = 4096
FD = 13          # len(dense_features) + 1
FS = 26          # number of sparse fields / embedding tables
V = 100000       # vocab per table
D = 16           # embedding_dim
IN_DIM = FD + FS * D   # 429
H1, H2, H3 = 256, 128, 64
OUT = 10


def setup_inputs(seed: int = 0) -> dict:
    key = jax.random.key(seed)
    ks = jax.random.split(key, 16)
    dense = jax.random.normal(ks[0], (B, FD), dtype=jnp.float32)
    sparse = jax.random.randint(ks[1], (B, FS), 0, V).astype(jnp.float32)
    target_x = jnp.concatenate([dense, sparse], axis=1)
    inp = {"target_x": target_x}
    # fm 1st-order sparse tables, stacked: [FS, V, 1]
    inp["emb1"] = jax.random.normal(ks[2], (FS, V, 1), dtype=jnp.float32) * 0.01
    # fm 2nd-order sparse tables, stacked: [FS, V, D]
    inp["emb2"] = jax.random.normal(ks[3], (FS, V, D), dtype=jnp.float32) * 0.01
    # fm_1st_order_dense linear
    inp["Wd"] = jax.random.normal(ks[4], (FD, 1), dtype=jnp.float32) * 0.05
    inp["bd"] = jnp.zeros((1,), dtype=jnp.float32)
    # DNN linears
    inp["W1"] = jax.random.normal(ks[5], (IN_DIM, H1), dtype=jnp.float32) * 0.05
    inp["b1"] = jnp.zeros((H1,), dtype=jnp.float32)
    inp["W2"] = jax.random.normal(ks[6], (H1, H2), dtype=jnp.float32) * 0.05
    inp["b2"] = jnp.zeros((H2,), dtype=jnp.float32)
    inp["W3"] = jax.random.normal(ks[7], (H2, H3), dtype=jnp.float32) * 0.05
    inp["b3"] = jnp.zeros((H3,), dtype=jnp.float32)
    # final linear
    inp["Wf"] = jax.random.normal(ks[8], (H3, OUT), dtype=jnp.float32) * 0.05
    inp["bf"] = jnp.zeros((OUT,), dtype=jnp.float32)
    return inp


def reference(target_x, emb1, emb2, Wd, bd, W1, b1, W2, b2, W3, b3, Wf, bf):
    dense_input = target_x[:, :FD]
    sparse_inputs = target_x[:, FD:].astype(jnp.int32)  # [B, FS]
    f_idx = jnp.arange(FS)[None, :]
    # FM first order: gather [B, FS] from stacked [FS, V, 1] tables
    fm_1st_sparse = emb1[f_idx, sparse_inputs][..., 0]            # [B, FS]
    fm_1st_sparse_res = jnp.sum(fm_1st_sparse, axis=1, keepdims=True)  # [B, 1]
    fm_1st_dense_res = dense_input @ Wd + bd                      # [B, 1]
    fm_1st_part = fm_1st_sparse_res + fm_1st_dense_res
    # FM second order: gather [B, FS, D]
    fm_2nd_concat_1d = emb2[f_idx, sparse_inputs]                 # [B, FS, D]
    sum_embed = jnp.sum(fm_2nd_concat_1d, axis=1)                 # [B, D]
    square_sum_embed = sum_embed * sum_embed
    sum_square_embed = jnp.sum(fm_2nd_concat_1d * fm_2nd_concat_1d, axis=1)
    sub = 0.5 * (square_sum_embed - sum_square_embed)
    fm_2nd_part = jnp.sum(sub, axis=1, keepdims=True)             # [B, 1]
    # DNN
    dnn_out = fm_2nd_concat_1d.reshape(B, FS * D)
    dnn_out = jnp.concatenate([dnn_out, dense_input], axis=-1)    # [B, 429]
    h = jax.nn.relu(dnn_out @ W1 + b1)
    h = jax.nn.relu(h @ W2 + b2)
    h = jax.nn.relu(h @ W3 + b3)
    dnn_final = h @ Wf + bf                                       # [B, 10]
    outputs = fm_1st_part + fm_2nd_part + dnn_final               # [B, 10]
    return outputs

if __name__ == "__main__":
    import jax
    _d = setup_inputs()
    print(jax.jit(kernel)(*tuple(_d.values())))

</pallas_src>

<mosaic_0001>
#map = affine_map<(d0, d1) -> (0, 0)>
#map1 = affine_map<(d0, d1) -> (0, 0, 0)>
module attributes {stable_mosaic.version = 14 : i64} {
  func.func @_sc_gather(%arg0: i32, %arg1: i32, %arg2: memref<416x100000xf32, #tpu.memory_space<hbm>>, %arg3: memref<26x1x100000xf32, #tpu.memory_space<hbm>>, %arg4: memref<26x4096xi32, #tpu.memory_space<hbm>>, %arg5: memref<416x4096xf32, #tpu.memory_space<hbm>>, %arg6: memref<26x4096xf32, #tpu.memory_space<hbm>>, %arg7: memref<100000xf32, #tpu.memory_space<vmem>>, %arg8: memref<4096xi32, #tpu.memory_space<vmem>>, %arg9: memref<4096xf32, #tpu.memory_space<vmem>>, %arg10: memref<!tpu.dma_semaphore, #tpu.memory_space<semaphore_mem>>, %arg11: memref<!tpu.dma_semaphore, #tpu.memory_space<semaphore_mem>>, %arg12: memref<!tpu.dma_semaphore, #tpu.memory_space<semaphore_mem>>) attributes {dimension_semantics = [#tpu.dimension_semantics<core_parallel>, #tpu.dimension_semantics<subcore_parallel>], iteration_bounds = array<i64: 2, 16>, scalar_prefetch = 0 : i64, scratch_operands = 6 : i64, tpu.core_type = #tpu.core_type<sc_vector_subcore>, window_params = [{transform_indices = #map}, {transform_indices = #map1}, {transform_indices = #map}, {transform_indices = #map}, {transform_indices = #map}]} {
    %mul3A = arith.constant 2 : i32
    %mul3A_0 = arith.muli %arg1, %mul3A : i32
    %add3A = arith.addi %mul3A_0, %arg0 : i32
    %mul3A_1 = arith.constant 13 : i32
    %mul3A_2 = arith.muli %add3A, %mul3A_1 : i32
    %add3A_3 = arith.constant 1 : i32
    %add3A_4 = arith.addi %add3A, %add3A_3 : i32
    %mul3A_5 = arith.constant 13 : i32
    %mul3A_6 = arith.muli %add3A_4, %mul3A_5 : i32
    %while3A = arith.constant 0 : i32
    %while3A_7 = arith.subi %mul3A_6, %mul3A_2 : i32
    %while3A_8 = arith.addi %mul3A_2, %while3A_7 : i32
    %while3A_9 = arith.constant 1 : i32
    %while3A_10 = arith.divsi %while3A_7, %while3A_9 : i32
    %while3A_11 = arith.muli %while3A_10, %while3A_9 : i32
    %while3A_12 = arith.addi %mul3A_2, %while3A_11 : i32
    %while3A_13 = arith.constant 1 : i32
    scf.for %while3A_23 = %mul3A_2 to %while3A_12 step %while3A_13  : i32 {
      %jit3A = arith.constant 16 : i32
      %div3A = arith.divsi %while3A_23, %jit3A : i32
      %sign3A = arith.constant 0 : i32
      %sign3A_24 = arith.cmpi sgt, %while3A_23, %sign3A : i32
      %sign3A_25 = arith.extui %sign3A_24 : i1 to i32
      %sign3A_26 = arith.constant 0 : i32
      %sign3A_27 = arith.cmpi slt, %while3A_23, %sign3A_26 : i32
      %sign3A_28 = arith.extui %sign3A_27 : i1 to i32
      %sign3A_29 = arith.subi %sign3A_25, %sign3A_28 : i32
      %sign3A_30 = arith.constant 0 : i32
      %sign3A_31 = arith.cmpi sgt, %jit3A, %sign3A_30 : i32
      %sign3A_32 = arith.extui %sign3A_31 : i1 to i32
      %sign3A_33 = arith.constant 0 : i32
      %sign3A_34 = arith.cmpi slt, %jit3A, %sign3A_33 : i32
      %sign3A_35 = arith.extui %sign3A_34 : i1 to i32
      %sign3A_36 = arith.subi %sign3A_32, %sign3A_35 : i32
      %ne3A = arith.cmpi ne, %sign3A_29, %sign3A_36 : i32
      %rem3A = arith.remsi %while3A_23, %jit3A : i32
      %ne3A_37 = arith.constant 0 : i32
      %ne3A_38 = arith.cmpi ne, %rem3A, %ne3A_37 : i32
      %and3A = arith.andi %ne3A, %ne3A_38 : i1
      %sub3A = arith.constant 1 : i32
      %sub3A_39 = arith.subi %div3A, %sub3A : i32
      %select_n3A = arith.select %and3A, %sub3A_39, %div3A : i32
      %dma_start3A = arith.constant 0 : i32
      %dma_start3A_40 = tpu.memref_slice %arg4[%select_n3A, %dma_start3A] : memref<26x4096xi32, #tpu.memory_space<hbm>> -> memref<1x4096xi32, #tpu.memory_space<hbm>>
      %dma_start3A_41 = tpu.memref_squeeze %dma_start3A_40 : memref<1x4096xi32, #tpu.memory_space<hbm>> -> memref<4096xi32, #tpu.memory_space<hbm>>
      %dma_start3A_42 = arith.constant 0 : i32
      %dma_start3A_43 = tpu.memref_slice %arg4[%select_n3A, %dma_start3A_42] : memref<26x4096xi32, #tpu.memory_space<hbm>> -> memref<1x4096xi32, #tpu.memory_space<hbm>>
      %dma_start3A_44 = tpu.memref_squeeze %dma_start3A_43 : memref<1x4096xi32, #tpu.memory_space<hbm>> -> memref<4096xi32, #tpu.memory_space<hbm>>
      tpu.enqueue_dma source(%dma_start3A_44 : memref<4096xi32, #tpu.memory_space<hbm>>) target(%arg8 : memref<4096xi32, #tpu.memory_space<vmem>>) target_semaphore(%arg11 : memref<!tpu.dma_semaphore, #tpu.memory_space<semaphore_mem>>)
      %dma_start3A_45 = arith.constant 0 : i32
      %dma_start3A_46 = tpu.memref_slice %arg2[%while3A_23, %dma_start3A_45] : memref<416x100000xf32, #tpu.memory_space<hbm>> -> memref<1x100000xf32, #tpu.memory_space<hbm>>
      %dma_start3A_47 = tpu.memref_squeeze %dma_start3A_46 : memref<1x100000xf32, #tpu.memory_space<hbm>> -> memref<100000xf32, #tpu.memory_space<hbm>>
      %dma_start3A_48 = arith.constant 0 : i32
      %dma_start3A_49 = tpu.memref_slice %arg2[%while3A_23, %dma_start3A_48] : memref<416x100000xf32, #tpu.memory_space<hbm>> -> memref<1x100000xf32, #tpu.memory_space<hbm>>
      %dma_start3A_50 = tpu.memref_squeeze %dma_start3A_49 : memref<1x100000xf32, #tpu.memory_space<hbm>> -> memref<100000xf32, #tpu.memory_space<hbm>>
      tpu.enqueue_dma source(%dma_start3A_50 : memref<100000xf32, #tpu.memory_space<hbm>>) target(%arg7 : memref<100000xf32, #tpu.memory_space<vmem>>) target_semaphore(%arg10 : memref<!tpu.dma_semaphore, #tpu.memory_space<semaphore_mem>>)
      %jit3A_51 = arith.constant 16 : i32
      %div3A_52 = arith.divsi %while3A_23, %jit3A_51 : i32
      %sign3A_53 = arith.constant 0 : i32
      %sign3A_54 = arith.cmpi sgt, %while3A_23, %sign3A_53 : i32
      %sign3A_55 = arith.extui %sign3A_54 : i1 to i32
      %sign3A_56 = arith.constant 0 : i32
      %sign3A_57 = arith.cmpi slt, %while3A_23, %sign3A_56 : i32
      %sign3A_58 = arith.extui %sign3A_57 : i1 to i32
      %sign3A_59 = arith.subi %sign3A_55, %sign3A_58 : i32
      %sign3A_60 = arith.constant 0 : i32
      %sign3A_61 = arith.cmpi sgt, %jit3A_51, %sign3A_60 : i32
      %sign3A_62 = arith.extui %sign3A_61 : i1 to i32
      %sign3A_63 = arith.constant 0 : i32
      %sign3A_64 = arith.cmpi slt, %jit3A_51, %sign3A_63 : i32
      %sign3A_65 = arith.extui %sign3A_64 : i1 to i32
      %sign3A_66 = arith.subi %sign3A_62, %sign3A_65 : i32
      %ne3A_67 = arith.cmpi ne, %sign3A_59, %sign3A_66 : i32
      %rem3A_68 = arith.remsi %while3A_23, %jit3A_51 : i32
      %ne3A_69 = arith.constant 0 : i32
      %ne3A_70 = arith.cmpi ne, %rem3A_68, %ne3A_69 : i32
      %and3A_71 = arith.andi %ne3A_67, %ne3A_70 : i1
      %sub3A_72 = arith.constant 1 : i32
      %sub3A_73 = arith.subi %div3A_52, %sub3A_72 : i32
      %select_n3A_74 = arith.select %and3A_71, %sub3A_73, %div3A_52 : i32
      %dma_wait3A_75 = arith.constant 0 : i32
      %dma_wait3A_76 = tpu.memref_slice %arg4[%select_n3A_74, %dma_wait3A_75] : memref<26x4096xi32, #tpu.memory_space<hbm>> -> memref<1x4096xi32, #tpu.memory_space<hbm>>
      %dma_wait3A_77 = tpu.memref_squeeze %dma_wait3A_76 : memref<1x4096xi32, #tpu.memory_space<hbm>> -> memref<4096xi32, #tpu.memory_space<hbm>>
      %dma_wait3A_78 = arith.constant 0 : i32
      %dma_wait3A_79 = tpu.memref_slice %arg4[%select_n3A_74, %dma_wait3A_78] : memref<26x4096xi32, #tpu.memory_space<hbm>> -> memref<1x4096xi32, #tpu.memory_space<hbm>>
      %dma_wait3A_80 = tpu.memref_squeeze %dma_wait3A_79 : memref<1x4096xi32, #tpu.memory_space<hbm>> -> memref<4096xi32, #tpu.memory_space<hbm>>
      tpu.wait_dma2 semaphore(%arg11 : memref<!tpu.dma_semaphore, #tpu.memory_space<semaphore_mem>>) src(%dma_wait3A_80 : memref<4096xi32, #tpu.memory_space<hbm>>) dst(%arg8 : memref<4096xi32, #tpu.memory_space<vmem>>)
      %dma_wait3A_81 = arith.constant 0 : i32
      %dma_wait3A_82 = tpu.memref_slice %arg2[%while3A_23, %dma_wait3A_81] : memref<416x100000xf32, #tpu.memory_space<hbm>> -> memref<1x100000xf32, #tpu.memory_space<hbm>>
      %dma_wait3A_83 = tpu.memref_squeeze %dma_wait3A_82 : memref<1x100000xf32, #tpu.memory_space<hbm>> -> memref<100000xf32, #tpu.memory_space<hbm>>
      %dma_wait3A_84 = arith.constant 0 : i32
      %dma_wait3A_85 = tpu.memref_slice %arg2[%while3A_23, %dma_wait3A_84] : memref<416x100000xf32, #tpu.memory_space<hbm>> -> memref<1x100000xf32, #tpu.memory_space<hbm>>
      %dma_wait3A_86 = tpu.memref_squeeze %dma_wait3A_85 : memref<1x100000xf32, #tpu.memory_space<hbm>> -> memref<100000xf32, #tpu.memory_space<hbm>>
      tpu.wait_dma2 semaphore(%arg10 : memref<!tpu.dma_semaphore, #tpu.memory_space<semaphore_mem>>) src(%dma_wait3A_86 : memref<100000xf32, #tpu.memory_space<hbm>>) dst(%arg7 : memref<100000xf32, #tpu.memory_space<vmem>>)
      %mul3A_87 = arith.constant 13 : i32
      %mul3A_88 = arith.muli %add3A, %mul3A_87 : i32
      %gt3A = arith.cmpi sgt, %while3A_23, %mul3A_88 : i32
      %convert_element_type3A_89 = arith.extui %gt3A : i1 to i32
      %cond3A_90 = arith.constant 0 : i32
      %cond3A_91 = arith.cmpi ne, %convert_element_type3A_89, %cond3A_90 : i32
      scf.if %cond3A_91 {
        %sub3A_102 = arith.constant 1 : i32
        %sub3A_103 = arith.subi %while3A_23, %sub3A_102 : i32
        %dma_wait3A_104 = arith.constant 0 : i32
        %dma_wait3A_105 = tpu.memref_slice %arg5[%sub3A_103, %dma_wait3A_104] : memref<416x4096xf32, #tpu.memory_space<hbm>> -> memref<1x4096xf32, #tpu.memory_space<hbm>>
        %dma_wait3A_106 = tpu.memref_squeeze %dma_wait3A_105 : memref<1x4096xf32, #tpu.memory_space<hbm>> -> memref<4096xf32, #tpu.memory_space<hbm>>
        %dma_wait3A_107 = arith.constant 0 : i32
        %dma_wait3A_108 = tpu.memref_slice %arg5[%sub3A_103, %dma_wait3A_107] : memref<416x4096xf32, #tpu.memory_space<hbm>> -> memref<1x4096xf32, #tpu.memory_space<hbm>>
        %dma_wait3A_109 = tpu.memref_squeeze %dma_wait3A_108 : memref<1x4096xf32, #tpu.memory_space<hbm>> -> memref<4096xf32, #tpu.memory_space<hbm>>
        tpu.wait_dma2 semaphore(%arg12 : memref<!tpu.dma_semaphore, #tpu.memory_space<semaphore_mem>>) src(%arg9 : memref<4096xf32, #tpu.memory_space<vmem>>) dst(%dma_wait3A_109 : memref<4096xf32, #tpu.memory_space<hbm>>)
      } else {
      }
      %scan3A = arith.constant 0 : i32
      %scan3A_92 = arith.constant 256 : i32
      %scan3A_93 = arith.addi %scan3A, %scan3A_92 : i32
      %scan3A_94 = arith.constant 1 : i32
      scf.for %scan3A_102 = %scan3A to %scan3A_93 step %scan3A_94  : i32 {
        %mul3A_103 = arith.constant 16 : i32
        %mul3A_104 = arith.muli %scan3A_102, %mul3A_103 : i32
        %get3A = arith.index_cast %mul3A_104 : i32 to index
        %get3A_105 = tpu.vector_load %arg8[%get3A] {strides = array<i32>} : memref<4096xi32, #tpu.memory_space<vmem>>, vector<16xi32>,
        %gather3A = tpu.vector_load_idx %arg7[%get3A_105] : memref<100000xf32, #tpu.memory_space<vmem>>[vector<16xi32>], vector<16xf32>,
        %mul3A_106 = arith.constant 16 : i32
        %mul3A_107 = arith.muli %scan3A_102, %mul3A_106 : i32
        %swap3A = arith.index_cast %mul3A_107 : i32 to index
        %swap3A_108 = tpu.vector_load %arg9[%swap3A] {strides = array<i32>} : memref<4096xf32, #tpu.memory_space<vmem>>, vector<16xf32>,
        tpu.vector_store %arg9[%swap3A], %gather3A {strides = array<i32>} : memref<4096xf32, #tpu.memory_space<vmem>>, vector<16xf32>,
      }
      %scan3A_95 = arith.constant 256 : i32
      %dma_start3A_96 = arith.constant 0 : i32
      %dma_start3A_97 = tpu.memref_slice %arg5[%while3A_23, %dma_start3A_96] : memref<416x4096xf32, #tpu.memory_space<hbm>> -> memref<1x4096xf32, #tpu.memory_space<hbm>>
      %dma_start3A_98 = tpu.memref_squeeze %dma_start3A_97 : memref<1x4096xf32, #tpu.memory_space<hbm>> -> memref<4096xf32, #tpu.memory_space<hbm>>
      %dma_start3A_99 = arith.constant 0 : i32
      %dma_start3A_100 = tpu.memref_slice %arg5[%while3A_23, %dma_start3A_99] : memref<416x4096xf32, #tpu.memory_space<hbm>> -> memref<1x4096xf32, #tpu.memory_space<hbm>>
      %dma_start3A_101 = tpu.memref_squeeze %dma_start3A_100 : memref<1x4096xf32, #tpu.memory_space<hbm>> -> memref<4096xf32, #tpu.memory_space<hbm>>
      tpu.enqueue_dma source(%arg9 : memref<4096xf32, #tpu.memory_space<vmem>>) target(%dma_start3A_101 : memref<4096xf32, #tpu.memory_space<hbm>>) target_semaphore(%arg12 : memref<!tpu.dma_semaphore, #tpu.memory_space<semaphore_mem>>)
    }
    %while3A_14 = arith.constant 1 : i32
    scf.for %while3A_23 = %while3A_12 to %while3A_8 step %while3A_14  : i32 {
      %jit3A = arith.constant 16 : i32
      %div3A = arith.divsi %while3A_23, %jit3A : i32
      %sign3A = arith.constant 0 : i32
      %sign3A_24 = arith.cmpi sgt, %while3A_23, %sign3A : i32
      %sign3A_25 = arith.extui %sign3A_24 : i1 to i32
      %sign3A_26 = arith.constant 0 : i32
      %sign3A_27 = arith.cmpi slt, %while3A_23, %sign3A_26 : i32
      %sign3A_28 = arith.extui %sign3A_27 : i1 to i32
      %sign3A_29 = arith.subi %sign3A_25, %sign3A_28 : i32
      %sign3A_30 = arith.constant 0 : i32
      %sign3A_31 = arith.cmpi sgt, %jit3A, %sign3A_30 : i32
      %sign3A_32 = arith.extui %sign3A_31 : i1 to i32
      %sign3A_33 = arith.constant 0 : i32
      %sign3A_34 = arith.cmpi slt, %jit3A, %sign3A_33 : i32
      %sign3A_35 = arith.extui %sign3A_34 : i1 to i32
      %sign3A_36 = arith.subi %sign3A_32, %sign3A_35 : i32
      %ne3A = arith.cmpi ne, %sign3A_29, %sign3A_36 : i32
      %rem3A = arith.remsi %while3A_23, %jit3A : i32
      %ne3A_37 = arith.constant 0 : i32
      %ne3A_38 = arith.cmpi ne, %rem3A, %ne3A_37 : i32
      %and3A = arith.andi %ne3A, %ne3A_38 : i1
      %sub3A = arith.constant 1 : i32
      %sub3A_39 = arith.subi %div3A, %sub3A : i32
      %select_n3A = arith.select %and3A, %sub3A_39, %div3A : i32
      %dma_start3A = arith.constant 0 : i32
      %dma_start3A_40 = tpu.memref_slice %arg4[%select_n3A, %dma_start3A] : memref<26x4096xi32, #tpu.memory_space<hbm>> -> memref<1x4096xi32, #tpu.memory_space<hbm>>
      %dma_start3A_41 = tpu.memref_squeeze %dma_start3A_40 : memref<1x4096xi32, #tpu.memory_space<hbm>> -> memref<4096xi32, #tpu.memory_space<hbm>>
      %dma_start3A_42 = arith.constant 0 : i32
      %dma_start3A_43 = tpu.memref_slice %arg4[%select_n3A, %dma_start3A_42] : memref<26x4096xi32, #tpu.memory_space<hbm>> -> memref<1x4096xi32, #tpu.memory_space<hbm>>
      %dma_start3A_44 = tpu.memref_squeeze %dma_start3A_43 : memref<1x4096xi32, #tpu.memory_space<hbm>> -> memref<4096xi32, #tpu.memory_space<hbm>>
      tpu.enqueue_dma source(%dma_start3A_44 : memref<4096xi32, #tpu.memory_space<hbm>>) target(%arg8 : memref<4096xi32, #tpu.memory_space<vmem>>) target_semaphore(%arg11 : memref<!tpu.dma_semaphore, #tpu.memory_space<semaphore_mem>>)
      %dma_start3A_45 = arith.constant 0 : i32
      %dma_start3A_46 = tpu.memref_slice %arg2[%while3A_23, %dma_start3A_45] : memref<416x100000xf32, #tpu.memory_space<hbm>> -> memref<1x100000xf32, #tpu.memory_space<hbm>>
      %dma_start3A_47 = tpu.memref_squeeze %dma_start3A_46 : memref<1x100000xf32, #tpu.memory_space<hbm>> -> memref<100000xf32, #tpu.memory_space<hbm>>
      %dma_start3A_48 = arith.constant 0 : i32
      %dma_start3A_49 = tpu.memref_slice %arg2[%while3A_23, %dma_start3A_48] : memref<416x100000xf32, #tpu.memory_space<hbm>> -> memref<1x100000xf32, #tpu.memory_space<hbm>>
      %dma_start3A_50 = tpu.memref_squeeze %dma_start3A_49 : memref<1x100000xf32, #tpu.memory_space<hbm>> -> memref<100000xf32, #tpu.memory_space<hbm>>
      tpu.enqueue_dma source(%dma_start3A_50 : memref<100000xf32, #tpu.memory_space<hbm>>) target(%arg7 : memref<100000xf32, #tpu.memory_space<vmem>>) target_semaphore(%arg10 : memref<!tpu.dma_semaphore, #tpu.memory_space<semaphore_mem>>)
      %jit3A_51 = arith.constant 16 : i32
      %div3A_52 = arith.divsi %while3A_23, %jit3A_51 : i32
      %sign3A_53 = arith.constant 0 : i32
      %sign3A_54 = arith.cmpi sgt, %while3A_23, %sign3A_53 : i32
      %sign3A_55 = arith.extui %sign3A_54 : i1 to i32
      %sign3A_56 = arith.constant 0 : i32
      %sign3A_57 = arith.cmpi slt, %while3A_23, %sign3A_56 : i32
      %sign3A_58 = arith.extui %sign3A_57 : i1 to i32
      %sign3A_59 = arith.subi %sign3A_55, %sign3A_58 : i32
      %sign3A_60 = arith.constant 0 : i32
      %sign3A_61 = arith.cmpi sgt, %jit3A_51, %sign3A_60 : i32
      %sign3A_62 = arith.extui %sign3A_61 : i1 to i32
      %sign3A_63 = arith.constant 0 : i32
      %sign3A_64 = arith.cmpi slt, %jit3A_51, %sign3A_63 : i32
      %sign3A_65 = arith.extui %sign3A_64 : i1 to i32
      %sign3A_66 = arith.subi %sign3A_62, %sign3A_65 : i32
      %ne3A_67 = arith.cmpi ne, %sign3A_59, %sign3A_66 : i32
      %rem3A_68 = arith.remsi %while3A_23, %jit3A_51 : i32
      %ne3A_69 = arith.constant 0 : i32
      %ne3A_70 = arith.cmpi ne, %rem3A_68, %ne3A_69 : i32
      %and3A_71 = arith.andi %ne3A_67, %ne3A_70 : i1
      %sub3A_72 = arith.constant 1 : i32
      %sub3A_73 = arith.subi %div3A_52, %sub3A_72 : i32
      %select_n3A_74 = arith.select %and3A_71, %sub3A_73, %div3A_52 : i32
      %dma_wait3A_75 = arith.constant 0 : i32
      %dma_wait3A_76 = tpu.memref_slice %arg4[%select_n3A_74, %dma_wait3A_75] : memref<26x4096xi32, #tpu.memory_space<hbm>> -> memref<1x4096xi32, #tpu.memory_space<hbm>>
      %dma_wait3A_77 = tpu.memref_squeeze %dma_wait3A_76 : memref<1x4096xi32, #tpu.memory_space<hbm>> -> memref<4096xi32, #tpu.memory_space<hbm>>
      %dma_wait3A_78 = arith.constant 0 : i32
      %dma_wait3A_79 = tpu.memref_slice %arg4[%select_n3A_74, %dma_wait3A_78] : memref<26x4096xi32, #tpu.memory_space<hbm>> -> memref<1x4096xi32, #tpu.memory_space<hbm>>
      %dma_wait3A_80 = tpu.memref_squeeze %dma_wait3A_79 : memref<1x4096xi32, #tpu.memory_space<hbm>> -> memref<4096xi32, #tpu.memory_space<hbm>>
      tpu.wait_dma2 semaphore(%arg11 : memref<!tpu.dma_semaphore, #tpu.memory_space<semaphore_mem>>) src(%dma_wait3A_80 : memref<4096xi32, #tpu.memory_space<hbm>>) dst(%arg8 : memref<4096xi32, #tpu.memory_space<vmem>>)
      %dma_wait3A_81 = arith.constant 0 : i32
      %dma_wait3A_82 = tpu.memref_slice %arg2[%while3A_23, %dma_wait3A_81] : memref<416x100000xf32, #tpu.memory_space<hbm>> -> memref<1x100000xf32, #tpu.memory_space<hbm>>
      %dma_wait3A_83 = tpu.memref_squeeze %dma_wait3A_82 : memref<1x100000xf32, #tpu.memory_space<hbm>> -> memref<100000xf32, #tpu.memory_space<hbm>>
      %dma_wait3A_84 = arith.constant 0 : i32
      %dma_wait3A_85 = tpu.memref_slice %arg2[%while3A_23, %dma_wait3A_84] : memref<416x100000xf32, #tpu.memory_space<hbm>> -> memref<1x100000xf32, #tpu.memory_space<hbm>>
      %dma_wait3A_86 = tpu.memref_squeeze %dma_wait3A_85 : memref<1x100000xf32, #tpu.memory_space<hbm>> -> memref<100000xf32, #tpu.memory_space<hbm>>
      tpu.wait_dma2 semaphore(%arg10 : memref<!tpu.dma_semaphore, #tpu.memory_space<semaphore_mem>>) src(%dma_wait3A_86 : memref<100000xf32, #tpu.memory_space<hbm>>) dst(%arg7 : memref<100000xf32, #tpu.memory_space<vmem>>)
      %mul3A_87 = arith.constant 13 : i32
      %mul3A_88 = arith.muli %add3A, %mul3A_87 : i32
      %gt3A = arith.cmpi sgt, %while3A_23, %mul3A_88 : i32
      %convert_element_type3A_89 = arith.extui %gt3A : i1 to i32
      %cond3A_90 = arith.constant 0 : i32
      %cond3A_91 = arith.cmpi ne, %convert_element_type3A_89, %cond3A_90 : i32
      scf.if %cond3A_91 {
        %sub3A_102 = arith.constant 1 : i32
        %sub3A_103 = arith.subi %while3A_23, %sub3A_102 : i32
        %dma_wait3A_104 = arith.constant 0 : i32
        %dma_wait3A_105 = tpu.memref_slice %arg5[%sub3A_103, %dma_wait3A_104] : memref<416x4096xf32, #tpu.memory_space<hbm>> -> memref<1x4096xf32, #tpu.memory_space<hbm>>
        %dma_wait3A_106 = tpu.memref_squeeze %dma_wait3A_105 : memref<1x4096xf32, #tpu.memory_space<hbm>> -> memref<4096xf32, #tpu.memory_space<hbm>>
        %dma_wait3A_107 = arith.constant 0 : i32
        %dma_wait3A_108 = tpu.memref_slice %arg5[%sub3A_103, %dma_wait3A_107] : memref<416x4096xf32, #tpu.memory_space<hbm>> -> memref<1x4096xf32, #tpu.memory_space<hbm>>
        %dma_wait3A_109 = tpu.memref_squeeze %dma_wait3A_108 : memref<1x4096xf32, #tpu.memory_space<hbm>> -> memref<4096xf32, #tpu.memory_space<hbm>>
        tpu.wait_dma2 semaphore(%arg12 : memref<!tpu.dma_semaphore, #tpu.memory_space<semaphore_mem>>) src(%arg9 : memref<4096xf32, #tpu.memory_space<vmem>>) dst(%dma_wait3A_109 : memref<4096xf32, #tpu.memory_space<hbm>>)
      } else {
      }
      %scan3A = arith.constant 0 : i32
      %scan3A_92 = arith.constant 256 : i32
      %scan3A_93 = arith.addi %scan3A, %scan3A_92 : i32
      %scan3A_94 = arith.constant 1 : i32
      scf.for %scan3A_102 = %scan3A to %scan3A_93 step %scan3A_94  : i32 {
        %mul3A_103 = arith.constant 16 : i32
        %mul3A_104 = arith.muli %scan3A_102, %mul3A_103 : i32
        %get3A = arith.index_cast %mul3A_104 : i32 to index
        %get3A_105 = tpu.vector_load %arg8[%get3A] {strides = array<i32>} : memref<4096xi32, #tpu.memory_space<vmem>>, vector<16xi32>,
        %gather3A = tpu.vector_load_idx %arg7[%get3A_105] : memref<100000xf32, #tpu.memory_space<vmem>>[vector<16xi32>], vector<16xf32>,
        %mul3A_106 = arith.constant 16 : i32
        %mul3A_107 = arith.muli %scan3A_102, %mul3A_106 : i32
        %swap3A = arith.index_cast %mul3A_107 : i32 to index
        %swap3A_108 = tpu.vector_load %arg9[%swap3A] {strides = array<i32>} : memref<4096xf32, #tpu.memory_space<vmem>>, vector<16xf32>,
        tpu.vector_store %arg9[%swap3A], %gather3A {strides = array<i32>} : memref<4096xf32, #tpu.memory_space<vmem>>, vector<16xf32>,
      }
      %scan3A_95 = arith.constant 256 : i32
      %dma_start3A_96 = arith.constant 0 : i32
      %dma_start3A_97 = tpu.memref_slice %arg5[%while3A_23, %dma_start3A_96] : memref<416x4096xf32, #tpu.memory_space<hbm>> -> memref<1x4096xf32, #tpu.memory_space<hbm>>
      %dma_start3A_98 = tpu.memref_squeeze %dma_start3A_97 : memref<1x4096xf32, #tpu.memory_space<hbm>> -> memref<4096xf32, #tpu.memory_space<hbm>>
      %dma_start3A_99 = arith.constant 0 : i32
      %dma_start3A_100 = tpu.memref_slice %arg5[%while3A_23, %dma_start3A_99] : memref<416x4096xf32, #tpu.memory_space<hbm>> -> memref<1x4096xf32, #tpu.memory_space<hbm>>
      %dma_start3A_101 = tpu.memref_squeeze %dma_start3A_100 : memref<1x4096xf32, #tpu.memory_space<hbm>> -> memref<4096xf32, #tpu.memory_space<hbm>>
      tpu.enqueue_dma source(%arg9 : memref<4096xf32, #tpu.memory_space<vmem>>) target(%dma_start3A_101 : memref<4096xf32, #tpu.memory_space<hbm>>) target_semaphore(%arg12 : memref<!tpu.dma_semaphore, #tpu.memory_space<semaphore_mem>>)
    }
    %dma_wait3A = arith.constant 0 : i32
    %dma_wait3A_15 = arith.constant 0 : i32
    %dma_wait3A_16 = tpu.memref_slice %arg5[%dma_wait3A, %dma_wait3A_15] : memref<416x4096xf32, #tpu.memory_space<hbm>> -> memref<1x4096xf32, #tpu.memory_space<hbm>>
    %dma_wait3A_17 = tpu.memref_squeeze %dma_wait3A_16 : memref<1x4096xf32, #tpu.memory_space<hbm>> -> memref<4096xf32, #tpu.memory_space<hbm>>
    %dma_wait3A_18 = arith.constant 0 : i32
    %dma_wait3A_19 = tpu.memref_slice %arg5[%dma_wait3A, %dma_wait3A_18] : memref<416x4096xf32, #tpu.memory_space<hbm>> -> memref<1x4096xf32, #tpu.memory_space<hbm>>
    %dma_wait3A_20 = tpu.memref_squeeze %dma_wait3A_19 : memref<1x4096xf32, #tpu.memory_space<hbm>> -> memref<4096xf32, #tpu.memory_space<hbm>>
    tpu.wait_dma2 semaphore(%arg12 : memref<!tpu.dma_semaphore, #tpu.memory_space<semaphore_mem>>) src(%arg9 : memref<4096xf32, #tpu.memory_space<vmem>>) dst(%dma_wait3A_20 : memref<4096xf32, #tpu.memory_space<hbm>>)
    %lt3A = arith.constant 26 : i32
    %lt3A_21 = arith.cmpi slt, %add3A, %lt3A : i32
    %convert_element_type3A = arith.extui %lt3A_21 : i1 to i32
    %cond3A = arith.constant 0 : i32
    %cond3A_22 = arith.cmpi ne, %convert_element_type3A, %cond3A : i32
    scf.if %cond3A_22 {
      %dma_start3A = arith.constant 0 : i32
      %dma_start3A_23 = tpu.memref_slice %arg4[%add3A, %dma_start3A] : memref<26x4096xi32, #tpu.memory_space<hbm>> -> memref<1x4096xi32, #tpu.memory_space<hbm>>
      %dma_start3A_24 = tpu.memref_squeeze %dma_start3A_23 : memref<1x4096xi32, #tpu.memory_space<hbm>> -> memref<4096xi32, #tpu.memory_space<hbm>>
      %dma_start3A_25 = arith.constant 0 : i32
      %dma_start3A_26 = tpu.memref_slice %arg4[%add3A, %dma_start3A_25] : memref<26x4096xi32, #tpu.memory_space<hbm>> -> memref<1x4096xi32, #tpu.memory_space<hbm>>
      %dma_start3A_27 = tpu.memref_squeeze %dma_start3A_26 : memref<1x4096xi32, #tpu.memory_space<hbm>> -> memref<4096xi32, #tpu.memory_space<hbm>>
      tpu.enqueue_dma source(%dma_start3A_27 : memref<4096xi32, #tpu.memory_space<hbm>>) target(%arg8 : memref<4096xi32, #tpu.memory_space<vmem>>) target_semaphore(%arg11 : memref<!tpu.dma_semaphore, #tpu.memory_space<semaphore_mem>>)
      %dma_start3A_28 = arith.constant 0 : i32
      %dma_start3A_29 = arith.constant 0 : i32
      %dma_start3A_30 = tpu.memref_slice %arg3[%add3A, %dma_start3A_28, %dma_start3A_29] : memref<26x1x100000xf32, #tpu.memory_space<hbm>> -> memref<1x1x100000xf32, #tpu.memory_space<hbm>>
      %dma_start3A_31 = tpu.memref_squeeze %dma_start3A_30 : memref<1x1x100000xf32, #tpu.memory_space<hbm>> -> memref<100000xf32, #tpu.memory_space<hbm>>
      %dma_start3A_32 = arith.constant 0 : i32
      %dma_start3A_33 = tpu.memref_slice %arg3[%add3A, %dma_start3A_28, %dma_start3A_32] : memref<26x1x100000xf32, #tpu.memory_space<hbm>> -> memref<1x1x100000xf32, #tpu.memory_space<hbm>>
      %dma_start3A_34 = tpu.memref_squeeze %dma_start3A_33 : memref<1x1x100000xf32, #tpu.memory_space<hbm>> -> memref<100000xf32, #tpu.memory_space<hbm>>
      tpu.enqueue_dma source(%dma_start3A_34 : memref<100000xf32, #tpu.memory_space<hbm>>) target(%arg7 : memref<100000xf32, #tpu.memory_space<vmem>>) target_semaphore(%arg10 : memref<!tpu.dma_semaphore, #tpu.memory_space<semaphore_mem>>)
      %dma_wait3A_35 = arith.constant 0 : i32
      %dma_wait3A_36 = tpu.memref_slice %arg4[%add3A, %dma_wait3A_35] : memref<26x4096xi32, #tpu.memory_space<hbm>> -> memref<1x4096xi32, #tpu.memory_space<hbm>>
      %dma_wait3A_37 = tpu.memref_squeeze %dma_wait3A_36 : memref<1x4096xi32, #tpu.memory_space<hbm>> -> memref<4096xi32, #tpu.memory_space<hbm>>
      %dma_wait3A_38 = arith.constant 0 : i32
      %dma_wait3A_39 = tpu.memref_slice %arg4[%add3A, %dma_wait3A_38] : memref<26x4096xi32, #tpu.memory_space<hbm>> -> memref<1x4096xi32, #tpu.memory_space<hbm>>
      %dma_wait3A_40 = tpu.memref_squeeze %dma_wait3A_39 : memref<1x4096xi32, #tpu.memory_space<hbm>> -> memref<4096xi32, #tpu.memory_space<hbm>>
      tpu.wait_dma2 semaphore(%arg11 : memref<!tpu.dma_semaphore, #tpu.memory_space<semaphore_mem>>) src(%dma_wait3A_40 : memref<4096xi32, #tpu.memory_space<hbm>>) dst(%arg8 : memref<4096xi32, #tpu.memory_space<vmem>>)
      %dma_wait3A_41 = arith.constant 0 : i32
      %dma_wait3A_42 = arith.constant 0 : i32
      %dma_wait3A_43 = tpu.memref_slice %arg3[%add3A, %dma_wait3A_41, %dma_wait3A_42] : memref<26x1x100000xf32, #tpu.memory_space<hbm>> -> memref<1x1x100000xf32, #tpu.memory_space<hbm>>
      %dma_wait3A_44 = tpu.memref_squeeze %dma_wait3A_43 : memref<1x1x100000xf32, #tpu.memory_space<hbm>> -> memref<100000xf32, #tpu.memory_space<hbm>>
      %dma_wait3A_45 = arith.constant 0 : i32
      %dma_wait3A_46 = tpu.memref_slice %arg3[%add3A, %dma_wait3A_41, %dma_wait3A_45] : memref<26x1x100000xf32, #tpu.memory_space<hbm>> -> memref<1x1x100000xf32, #tpu.memory_space<hbm>>
      %dma_wait3A_47 = tpu.memref_squeeze %dma_wait3A_46 : memref<1x1x100000xf32, #tpu.memory_space<hbm>> -> memref<100000xf32, #tpu.memory_space<hbm>>
      tpu.wait_dma2 semaphore(%arg10 : memref<!tpu.dma_semaphore, #tpu.memory_space<semaphore_mem>>) src(%dma_wait3A_47 : memref<100000xf32, #tpu.memory_space<hbm>>) dst(%arg7 : memref<100000xf32, #tpu.memory_space<vmem>>)
      %scan3A = arith.constant 0 : i32
      %scan3A_48 = arith.constant 0 : i32
      %scan3A_49 = arith.constant 256 : i32
      %scan3A_50 = arith.addi %scan3A_48, %scan3A_49 : i32
      %scan3A_51 = arith.constant 1 : i32
      scf.for %scan3A_53 = %scan3A_48 to %scan3A_50 step %scan3A_51  : i32 {
        %mul3A_54 = arith.constant 16 : i32
        %mul3A_55 = arith.muli %scan3A_53, %mul3A_54 : i32
        %get3A = arith.index_cast %mul3A_55 : i32 to index
        %get3A_56 = tpu.vector_load %arg8[%get3A] {strides = array<i32>} : memref<4096xi32, #tpu.memory_space<vmem>>, vector<16xi32>,
        %gather3A = tpu.vector_load_idx %arg7[%get3A_56] : memref<100000xf32, #tpu.memory_space<vmem>>[vector<16xi32>], vector<16xf32>,
        %mul3A_57 = arith.constant 16 : i32
        %mul3A_58 = arith.muli %scan3A_53, %mul3A_57 : i32
        %swap3A = arith.index_cast %mul3A_58 : i32 to index
        %swap3A_59 = tpu.vector_load %arg9[%swap3A] {strides = array<i32>} : memref<4096xf32, #tpu.memory_space<vmem>>, vector<16xf32>,
        tpu.vector_store %arg9[%swap3A], %gather3A {strides = array<i32>} : memref<4096xf32, #tpu.memory_space<vmem>>, vector<16xf32>,
      }
      %scan3A_52 = arith.constant 256 : i32
      "tpu.region"() ({
        %run_scoped3A = tpu.sem_alloc : memref<!tpu.dma_semaphore, #tpu.memory_space<semaphore_mem>>
        %dma_start3A_53 = arith.constant 0 : i32
        %dma_start3A_54 = tpu.memref_slice %arg6[%add3A, %dma_start3A_53] : memref<26x4096xf32, #tpu.memory_space<hbm>> -> memref<1x4096xf32, #tpu.memory_space<hbm>>
        %dma_start3A_55 = tpu.memref_squeeze %dma_start3A_54 : memref<1x4096xf32, #tpu.memory_space<hbm>> -> memref<4096xf32, #tpu.memory_space<hbm>>
        %dma_start3A_56 = arith.constant 0 : i32
        %dma_start3A_57 = tpu.memref_slice %arg6[%add3A, %dma_start3A_56] : memref<26x4096xf32, #tpu.memory_space<hbm>> -> memref<1x4096xf32, #tpu.memory_space<hbm>>
        %dma_start3A_58 = tpu.memref_squeeze %dma_start3A_57 : memref<1x4096xf32, #tpu.memory_space<hbm>> -> memref<4096xf32, #tpu.memory_space<hbm>>
        tpu.enqueue_dma source(%arg9 : memref<4096xf32, #tpu.memory_space<vmem>>) target(%dma_start3A_58 : memref<4096xf32, #tpu.memory_space<hbm>>) target_semaphore(%run_scoped3A : memref<!tpu.dma_semaphore, #tpu.memory_space<semaphore_mem>>)
        %dma_wait3A_59 = arith.constant 0 : i32
        %dma_wait3A_60 = tpu.memref_slice %arg6[%add3A, %dma_wait3A_59] : memref<26x4096xf32, #tpu.memory_space<hbm>> -> memref<1x4096xf32, #tpu.memory_space<hbm>>
        %dma_wait3A_61 = tpu.memref_squeeze %dma_wait3A_60 : memref<1x4096xf32, #tpu.memory_space<hbm>> -> memref<4096xf32, #tpu.memory_space<hbm>>
        %dma_wait3A_62 = arith.constant 0 : i32
        %dma_wait3A_63 = tpu.memref_slice %arg6[%add3A, %dma_wait3A_62] : memref<26x4096xf32, #tpu.memory_space<hbm>> -> memref<1x4096xf32, #tpu.memory_space<hbm>>
        %dma_wait3A_64 = tpu.memref_squeeze %dma_wait3A_63 : memref<1x4096xf32, #tpu.memory_space<hbm>> -> memref<4096xf32, #tpu.memory_space<hbm>>
        tpu.wait_dma2 semaphore(%run_scoped3A : memref<!tpu.dma_semaphore, #tpu.memory_space<semaphore_mem>>) src(%arg9 : memref<4096xf32, #tpu.memory_space<vmem>>) dst(%dma_wait3A_64 : memref<4096xf32, #tpu.memory_space<hbm>>)
        tpu.yield
      }) : () -> ()
    } else {
    }
    return
  }
}

module attributes {stable_mosaic.version = 14 : i64} {
  func.func @_tc_dense(%arg0: i32, %arg1: memref<416x2048xf32, #tpu.memory_space<vmem>>, %arg2: memref<26x2048xf32, #tpu.memory_space<vmem>>, %arg3: memref<13x2048xf32, #tpu.memory_space<vmem>>, %arg4: memref<256x416xf32, #tpu.memory_space<vmem>>, %arg5: memref<256x13xf32, #tpu.memory_space<vmem>>, %arg6: memref<256x1xf32, #tpu.memory_space<vmem>>, %arg7: memref<128x256xf32, #tpu.memory_space<vmem>>, %arg8: memref<128x1xf32, #tpu.memory_space<vmem>>, %arg9: memref<64x128xf32, #tpu.memory_space<vmem>>, %arg10: memref<64x1xf32, #tpu.memory_space<vmem>>, %arg11: memref<10x64xf32, #tpu.memory_space<vmem>>, %arg12: memref<10x1xf32, #tpu.memory_space<vmem>>, %arg13: memref<1x13xf32, #tpu.memory_space<vmem>>, %arg14: memref<1x1xf32, #tpu.memory_space<vmem>>, %arg15: memref<10x2048xf32, #tpu.memory_space<vmem>>) attributes {dimension_semantics = [#tpu.dimension_semantics<arbitrary>], iteration_bounds = array<i64: 2>, scalar_prefetch = 0 : i64, scratch_operands = 0 : i64, tpu.core_type = #tpu.core_type<tc>, window_params = [{transform_indices = @transform_0, window_bounds = array<i64: 416, 2048>}, {transform_indices = @transform_1, window_bounds = array<i64: 26, 2048>}, {transform_indices = @transform_2, window_bounds = array<i64: 13, 2048>}, {pipeline_mode = #tpu.pipeline_mode<synchronous>, transform_indices = @transform_3, window_bounds = array<i64: 256, 416>}, {pipeline_mode = #tpu.pipeline_mode<synchronous>, transform_indices = @transform_4, window_bounds = array<i64: 256, 13>}, {pipeline_mode = #tpu.pipeline_mode<synchronous>, transform_indices = @transform_5, window_bounds = array<i64: 256, 1>}, {pipeline_mode = #tpu.pipeline_mode<synchronous>, transform_indices = @transform_6, window_bounds = array<i64: 128, 256>}, {pipeline_mode = #tpu.pipeline_mode<synchronous>, transform_indices = @transform_7, window_bounds = array<i64: 128, 1>}, {pipeline_mode = #tpu.pipeline_mode<synchronous>, transform_indices = @transform_8, window_bounds = array<i64: 64, 128>}, {pipeline_mode = #tpu.pipeline_mode<synchronous>, transform_indices = @transform_9, window_bounds = array<i64: 64, 1>}, {pipeline_mode = #tpu.pipeline_mode<synchronous>, transform_indices = @transform_10, window_bounds = array<i64: 10, 64>}, {pipeline_mode = #tpu.pipeline_mode<synchronous>, transform_indices = @transform_11, window_bounds = array<i64: 10, 1>}, {pipeline_mode = #tpu.pipeline_mode<synchronous>, transform_indices = @transform_12, window_bounds = array<i64: 1, 13>}, {pipeline_mode = #tpu.pipeline_mode<synchronous>, transform_indices = @transform_13, window_bounds = array<i64: 1, 1>}, {transform_indices = @transform_14, window_bounds = array<i64: 10, 2048>}]} {
    %get3A = arith.constant 0 : index
    %get3A_0 = arith.constant 0 : index
    %get3A_1 = vector.load %arg1[%get3A, %get3A_0] : memref<416x2048xf32, #tpu.memory_space<vmem>>, vector<416x2048xf32>
    %get3A_2 = arith.constant 0 : index
    %get3A_3 = arith.constant 0 : index
    %get3A_4 = vector.load %arg3[%get3A_2, %get3A_3] : memref<13x2048xf32, #tpu.memory_space<vmem>>, vector<13x2048xf32>
    %iota3A = tpu.iota {dimensions = array<i32: 1>} : vector<16x416xi32>
    %iota3A_5 = tpu.iota {dimensions = array<i32: 0>} : vector<16x416xi32>
    %jit3A = arith.constant 16 : i32
    %eq3A = arith.constant 0 : i32
    %eq3A_6 = arith.cmpi eq, %jit3A, %eq3A : i32
    %jit3A_7 = arith.constant 1 : i32
    %select_n3A = arith.select %eq3A_6, %jit3A_7, %jit3A : i32
    %rem3A = vector.broadcast %select_n3A : i32 to vector<16x416xi32>
    %rem3A_8 = arith.remsi %iota3A, %rem3A : vector<16x416xi32>
    %ne3A = arith.constant 0 : i32
    %ne3A_9 = vector.broadcast %ne3A : i32 to vector<16x416xi32>
    %ne3A_10 = arith.cmpi ne, %rem3A_8, %ne3A_9 : vector<16x416xi32>
    %lt3A = arith.constant 0 : i32
    %lt3A_11 = vector.broadcast %lt3A : i32 to vector<16x416xi32>
    %lt3A_12 = arith.cmpi slt, %rem3A_8, %lt3A_11 : vector<16x416xi32>
    %lt3A_13 = arith.constant 0 : i32
    %lt3A_14 = arith.cmpi slt, %select_n3A, %lt3A_13 : i32
    %ne3A_15 = vector.broadcast %lt3A_14 : i1 to vector<16x416xi1>
    %ne3A_16 = vector.broadcast %ne3A_15 : vector<16x416xi1> to vector<16x416xi1>
    %ne3A_17 = arith.xori %lt3A_12, %ne3A_16 : vector<16x416xi1>
    %and3A = arith.andi %ne3A_17, %ne3A_10 : vector<16x416xi1>
    %add3A = vector.broadcast %select_n3A : i32 to vector<16x416xi32>
    %add3A_18 = arith.addi %rem3A_8, %add3A : vector<16x416xi32>
    %select_n3A_19 = arith.select %and3A, %add3A_18, %rem3A_8 : vector<16x416xi1>, vector<16x416xi32>
    %eq3A_20 = arith.cmpi eq, %select_n3A_19, %iota3A_5 : vector<16x416xi32>
    %convert_element_type3A = arith.extui %eq3A_20 : vector<16x416xi1> to vector<16x416xi32>
    %convert_element_type3A_21 = arith.sitofp %convert_element_type3A : vector<16x416xi32> to vector<16x416xf32>
    %dot_general3A = arith.constant dense<0.000000e+00> : vector<16x2048xf32>
    %dot_general3A_22 = tpu.matmul %convert_element_type3A_21, %get3A_1, %dot_general3A {dimension_numbers = #tpu.dot_dimension_numbers<[1], [0], [0], [1], [0, 0, 1, 1], [], []>, transpose_lhs_hint = false} : vector<16x416xf32>, vector<416x2048xf32>, vector<16x2048xf32> -> vector<16x2048xf32>
    %broadcast_in_dim3A = arith.constant 1.000000e+00 : f32
    %broadcast_in_dim3A_23 = vector.broadcast %broadcast_in_dim3A : f32 to vector<8x16xf32>
    %mul3A = arith.mulf %dot_general3A_22, %dot_general3A_22 : vector<16x2048xf32>
    %dot_general3A_24 = arith.constant dense<0.000000e+00> : vector<8x2048xf32>
    %dot_general3A_25 = tpu.matmul %broadcast_in_dim3A_23, %mul3A, %dot_general3A_24 {dimension_numbers = #tpu.dot_dimension_numbers<[1], [0], [0], [1], [0, 0, 1, 1], [], []>, transpose_lhs_hint = false} : vector<8x16xf32>, vector<16x2048xf32>, vector<8x2048xf32> -> vector<8x2048xf32>
    %slice3A = vector.extract_strided_slice %dot_general3A_25 {offsets = [0, 0], sizes = [1, 2048], strides = [1, 1]} : vector<8x2048xf32> to vector<1x2048xf32>
    %broadcast_in_dim3A_26 = arith.constant 1.000000e+00 : f32
    %broadcast_in_dim3A_27 = vector.broadcast %broadcast_in_dim3A_26 : f32 to vector<8x416xf32>
    %mul3A_28 = arith.mulf %get3A_1, %get3A_1 : vector<416x2048xf32>
    %dot_general3A_29 = arith.constant dense<0.000000e+00> : vector<8x2048xf32>
    %dot_general3A_30 = tpu.matmul %broadcast_in_dim3A_27, %mul3A_28, %dot_general3A_29 {dimension_numbers = #tpu.dot_dimension_numbers<[1], [0], [0], [1], [0, 0, 1, 1], [], []>, transpose_lhs_hint = false} : vector<8x416xf32>, vector<416x2048xf32>, vector<8x2048xf32> -> vector<8x2048xf32>
    %slice3A_31 = vector.extract_strided_slice %dot_general3A_30 {offsets = [0, 0], sizes = [1, 2048], strides = [1, 1]} : vector<8x2048xf32> to vector<1x2048xf32>
    %sub3A = arith.subf %slice3A, %slice3A_31 : vector<1x2048xf32>
    %mul3A_32 = arith.constant 5.000000e-01 : f32
    %mul3A_33 = vector.broadcast %mul3A_32 : f32 to vector<1x2048xf32>
    %mul3A_34 = arith.mulf %mul3A_33, %sub3A : vector<1x2048xf32>
    %broadcast_in_dim3A_35 = arith.constant 1.000000e+00 : f32
    %broadcast_in_dim3A_36 = vector.broadcast %broadcast_in_dim3A_35 : f32 to vector<8x26xf32>
    %get3A_37 = arith.constant 0 : index
    %get3A_38 = arith.constant 0 : index
    %get3A_39 = vector.load %arg2[%get3A_37, %get3A_38] : memref<26x2048xf32, #tpu.memory_space<vmem>>, vector<26x2048xf32>
    %dot_general3A_40 = arith.constant dense<0.000000e+00> : vector<8x2048xf32>
    %dot_general3A_41 = tpu.matmul %broadcast_in_dim3A_36, %get3A_39, %dot_general3A_40 {dimension_numbers = #tpu.dot_dimension_numbers<[1], [0], [0], [1], [0, 0, 1, 1], [], []>, transpose_lhs_hint = false} : vector<8x26xf32>, vector<26x2048xf32>, vector<8x2048xf32> -> vector<8x2048xf32>
    %slice3A_42 = vector.extract_strided_slice %dot_general3A_41 {offsets = [0, 0], sizes = [1, 2048], strides = [1, 1]} : vector<8x2048xf32> to vector<1x2048xf32>
    %get3A_43 = arith.constant 0 : index
    %get3A_44 = arith.constant 0 : index
    %get3A_45 = vector.load %arg13[%get3A_43, %get3A_44] : memref<1x13xf32, #tpu.memory_space<vmem>>, vector<1x13xf32>
    %dot_general3A_46 = arith.constant dense<0.000000e+00> : vector<1x2048xf32>
    %dot_general3A_47 = tpu.matmul %get3A_45, %get3A_4, %dot_general3A_46 {dimension_numbers = #tpu.dot_dimension_numbers<[1], [0], [0], [1], [0, 0, 1, 1], [], []>, transpose_lhs_hint = false} : vector<1x13xf32>, vector<13x2048xf32>, vector<1x2048xf32> -> vector<1x2048xf32>
    %add3A_48 = arith.addf %slice3A_42, %dot_general3A_47 : vector<1x2048xf32>
    %get3A_49 = arith.constant 0 : index
    %get3A_50 = arith.constant 0 : index
    %get3A_51 = vector.load %arg14[%get3A_49, %get3A_50] : memref<1x1xf32, #tpu.memory_space<vmem>>, vector<1x1xf32>
    %add3A_52 = vector.broadcast %get3A_51 : vector<1x1xf32> to vector<1x2048xf32>
    %add3A_53 = arith.addf %add3A_48, %add3A_52 : vector<1x2048xf32>
    %get3A_54 = arith.constant 0 : index
    %get3A_55 = arith.constant 0 : index
    %get3A_56 = vector.load %arg4[%get3A_54, %get3A_55] : memref<256x416xf32, #tpu.memory_space<vmem>>, vector<256x416xf32>
    %dot_general3A_57 = arith.constant dense<0.000000e+00> : vector<256x2048xf32>
    %dot_general3A_58 = tpu.matmul %get3A_56, %get3A_1, %dot_general3A_57 {dimension_numbers = #tpu.dot_dimension_numbers<[1], [0], [0], [1], [0, 0, 1, 1], [], []>, transpose_lhs_hint = false} : vector<256x416xf32>, vector<416x2048xf32>, vector<256x2048xf32> -> vector<256x2048xf32>
    %get3A_59 = arith.constant 0 : index
    %get3A_60 = arith.constant 0 : index
    %get3A_61 = vector.load %arg5[%get3A_59, %get3A_60] : memref<256x13xf32, #tpu.memory_space<vmem>>, vector<256x13xf32>
    %dot_general3A_62 = arith.constant dense<0.000000e+00> : vector<256x2048xf32>
    %dot_general3A_63 = tpu.matmul %get3A_61, %get3A_4, %dot_general3A_62 {dimension_numbers = #tpu.dot_dimension_numbers<[1], [0], [0], [1], [0, 0, 1, 1], [], []>, transpose_lhs_hint = false} : vector<256x13xf32>, vector<13x2048xf32>, vector<256x2048xf32> -> vector<256x2048xf32>
    %add3A_64 = arith.addf %dot_general3A_58, %dot_general3A_63 : vector<256x2048xf32>
    %get3A_65 = arith.constant 0 : index
    %get3A_66 = arith.constant 0 : index
    %get3A_67 = vector.load %arg6[%get3A_65, %get3A_66] : memref<256x1xf32, #tpu.memory_space<vmem>>, vector<256x1xf32>
    %add3A_68 = vector.broadcast %get3A_67 : vector<256x1xf32> to vector<256x2048xf32>
    %add3A_69 = arith.addf %add3A_64, %add3A_68 : vector<256x2048xf32>
    %max3A = arith.constant 0.000000e+00 : f32
    %max3A_70 = vector.broadcast %max3A : f32 to vector<256x2048xf32>
    %max3A_71 = arith.maximumf %add3A_69, %max3A_70 : vector<256x2048xf32>
    %get3A_72 = arith.constant 0 : index
    %get3A_73 = arith.constant 0 : index
    %get3A_74 = vector.load %arg7[%get3A_72, %get3A_73] : memref<128x256xf32, #tpu.memory_space<vmem>>, vector<128x256xf32>
    %dot_general3A_75 = arith.constant dense<0.000000e+00> : vector<128x2048xf32>
    %dot_general3A_76 = tpu.matmul %get3A_74, %max3A_71, %dot_general3A_75 {dimension_numbers = #tpu.dot_dimension_numbers<[1], [0], [0], [1], [0, 0, 1, 1], [], []>, transpose_lhs_hint = false} : vector<128x256xf32>, vector<256x2048xf32>, vector<128x2048xf32> -> vector<128x2048xf32>
    %get3A_77 = arith.constant 0 : index
    %get3A_78 = arith.constant 0 : index
    %get3A_79 = vector.load %arg8[%get3A_77, %get3A_78] : memref<128x1xf32, #tpu.memory_space<vmem>>, vector<128x1xf32>
    %add3A_80 = vector.broadcast %get3A_79 : vector<128x1xf32> to vector<128x2048xf32>
    %add3A_81 = arith.addf %dot_general3A_76, %add3A_80 : vector<128x2048xf32>
    %max3A_82 = arith.constant 0.000000e+00 : f32
    %max3A_83 = vector.broadcast %max3A_82 : f32 to vector<128x2048xf32>
    %max3A_84 = arith.maximumf %add3A_81, %max3A_83 : vector<128x2048xf32>
    %get3A_85 = arith.constant 0 : index
    %get3A_86 = arith.constant 0 : index
    %get3A_87 = vector.load %arg9[%get3A_85, %get3A_86] : memref<64x128xf32, #tpu.memory_space<vmem>>, vector<64x128xf32>
    %dot_general3A_88 = arith.constant dense<0.000000e+00> : vector<64x2048xf32>
    %dot_general3A_89 = tpu.matmul %get3A_87, %max3A_84, %dot_general3A_88 {dimension_numbers = #tpu.dot_dimension_numbers<[1], [0], [0], [1], [0, 0, 1, 1], [], []>, transpose_lhs_hint = false} : vector<64x128xf32>, vector<128x2048xf32>, vector<64x2048xf32> -> vector<64x2048xf32>
    %get3A_90 = arith.constant 0 : index
    %get3A_91 = arith.constant 0 : index
    %get3A_92 = vector.load %arg10[%get3A_90, %get3A_91] : memref<64x1xf32, #tpu.memory_space<vmem>>, vector<64x1xf32>
    %add3A_93 = vector.broadcast %get3A_92 : vector<64x1xf32> to vector<64x2048xf32>
    %add3A_94 = arith.addf %dot_general3A_89, %add3A_93 : vector<64x2048xf32>
    %max3A_95 = arith.constant 0.000000e+00 : f32
    %max3A_96 = vector.broadcast %max3A_95 : f32 to vector<64x2048xf32>
    %max3A_97 = arith.maximumf %add3A_94, %max3A_96 : vector<64x2048xf32>
    %get3A_98 = arith.constant 0 : index
    %get3A_99 = arith.constant 0 : index
    %get3A_100 = vector.load %arg11[%get3A_98, %get3A_99] : memref<10x64xf32, #tpu.memory_space<vmem>>, vector<10x64xf32>
    %dot_general3A_101 = arith.constant dense<0.000000e+00> : vector<10x2048xf32>
    %dot_general3A_102 = tpu.matmul %get3A_100, %max3A_97, %dot_general3A_101 {dimension_numbers = #tpu.dot_dimension_numbers<[1], [0], [0], [1], [0, 0, 1, 1], [], []>, transpose_lhs_hint = false} : vector<10x64xf32>, vector<64x2048xf32>, vector<10x2048xf32> -> vector<10x2048xf32>
    %get3A_103 = arith.constant 0 : index
    %get3A_104 = arith.constant 0 : index
    %get3A_105 = vector.load %arg12[%get3A_103, %get3A_104] : memref<10x1xf32, #tpu.memory_space<vmem>>, vector<10x1xf32>
    %add3A_106 = vector.broadcast %get3A_105 : vector<10x1xf32> to vector<10x2048xf32>
    %add3A_107 = arith.addf %dot_general3A_102, %add3A_106 : vector<10x2048xf32>
    %add3A_108 = vector.broadcast %add3A_53 : vector<1x2048xf32> to vector<10x2048xf32>
    %add3A_109 = arith.addf %add3A_107, %add3A_108 : vector<10x2048xf32>
    %add3A_110 = vector.broadcast %mul3A_34 : vector<1x2048xf32> to vector<10x2048xf32>
    %add3A_111 = arith.addf %add3A_109, %add3A_110 : vector<10x2048xf32>
    %swap3A = arith.constant 0 : index
    %swap3A_112 = arith.constant 0 : index
    %swap3A_113 = vector.load %arg15[%swap3A, %swap3A_112] : memref<10x2048xf32, #tpu.memory_space<vmem>>, vector<10x2048xf32>
    tpu.vector_store %arg15[%swap3A, %swap3A_112], %add3A_111 {strides = array<i32>} : memref<10x2048xf32, #tpu.memory_space<vmem>>, vector<10x2048xf32>,
    return
  }
  func.func @transform_0(%arg0: i32) -> (i32, i32) {
    %c0_i32 = arith.constant 0 : i32
    %c0_i32_0 = arith.constant 0 : i32
    return %c0_i32, %arg0 : i32, i32
  }
  func.func @transform_1(%arg0: i32) -> (i32, i32) {
    %c0_i32 = arith.constant 0 : i32
    %c0_i32_0 = arith.constant 0 : i32
    return %c0_i32, %arg0 : i32, i32
  }
  func.func @transform_2(%arg0: i32) -> (i32, i32) {
    %c0_i32 = arith.constant 0 : i32
    %c0_i32_0 = arith.constant 0 : i32
    return %c0_i32, %arg0 : i32, i32
  }
  func.func @transform_3(%arg0: i32) -> (i32, i32) {
    %c0_i32 = arith.constant 0 : i32
    %c0_i32_0 = arith.constant 0 : i32
    %c0_i32_1 = arith.constant 0 : i32
    return %c0_i32, %c0_i32_0 : i32, i32
  }
  func.func @transform_4(%arg0: i32) -> (i32, i32) {
    %c0_i32 = arith.constant 0 : i32
    %c0_i32_0 = arith.constant 0 : i32
    %c0_i32_1 = arith.constant 0 : i32
    return %c0_i32, %c0_i32_0 : i32, i32
  }
  func.func @transform_5(%arg0: i32) -> (i32, i32) {
    %c0_i32 = arith.constant 0 : i32
    %c0_i32_0 = arith.constant 0 : i32
    %c0_i32_1 = arith.constant 0 : i32
    return %c0_i32, %c0_i32_0 : i32, i32
  }
  func.func @transform_6(%arg0: i32) -> (i32, i32) {
    %c0_i32 = arith.constant 0 : i32
    %c0_i32_0 = arith.constant 0 : i32
    %c0_i32_1 = arith.constant 0 : i32
    return %c0_i32, %c0_i32_0 : i32, i32
  }
  func.func @transform_7(%arg0: i32) -> (i32, i32) {
    %c0_i32 = arith.constant 0 : i32
    %c0_i32_0 = arith.constant 0 : i32
    %c0_i32_1 = arith.constant 0 : i32
    return %c0_i32, %c0_i32_0 : i32, i32
  }
  func.func @transform_8(%arg0: i32) -> (i32, i32) {
    %c0_i32 = arith.constant 0 : i32
    %c0_i32_0 = arith.constant 0 : i32
    %c0_i32_1 = arith.constant 0 : i32
    return %c0_i32, %c0_i32_0 : i32, i32
  }
  func.func @transform_9(%arg0: i32) -> (i32, i32) {
    %c0_i32 = arith.constant 0 : i32
    %c0_i32_0 = arith.constant 0 : i32
    %c0_i32_1 = arith.constant 0 : i32
    return %c0_i32, %c0_i32_0 : i32, i32
  }
  func.func @transform_10(%arg0: i32) -> (i32, i32) {
    %c0_i32 = arith.constant 0 : i32
    %c0_i32_0 = arith.constant 0 : i32
    %c0_i32_1 = arith.constant 0 : i32
    return %c0_i32, %c0_i32_0 : i32, i32
  }
  func.func @transform_11(%arg0: i32) -> (i32, i32) {
    %c0_i32 = arith.constant 0 : i32
    %c0_i32_0 = arith.constant 0 : i32
    %c0_i32_1 = arith.constant 0 : i32
    return %c0_i32, %c0_i32_0 : i32, i32
  }
  func.func @transform_12(%arg0: i32) -> (i32, i32) {
    %c0_i32 = arith.constant 0 : i32
    %c0_i32_0 = arith.constant 0 : i32
    %c0_i32_1 = arith.constant 0 : i32
    return %c0_i32, %c0_i32_0 : i32, i32
  }
  func.func @transform_13(%arg0: i32) -> (i32, i32) {
    %c0_i32 = arith.constant 0 : i32
    %c0_i32_0 = arith.constant 0 : i32
    %c0_i32_1 = arith.constant 0 : i32
    return %c0_i32, %c0_i32_0 : i32, i32
  }
  func.func @transform_14(%arg0: i32) -> (i32, i32) {
    %c0_i32 = arith.constant 0 : i32
    %c0_i32_0 = arith.constant 0 : i32
    return %c0_i32, %arg0 : i32, i32
  }
}

</mosaic_0001>

<sc_bundles>
// kernel: kernel.4.cloned.1.call-start
scs
__scs_entry_jumppad:
0x0: {  	(pc) =	sbr.rel $0x88, $3  }
0x1: {  	(tag) =	ssettag $0x0;
	lr =	simm.s32 $0x1  }
0x2: {  	[smem:$0x3F94] =	sst lr;
	_ =	strace $0xD0000000  }
0x3: {  	_ = 	snop  }
0x4: {  	_ = 	snop  }
0x5: {  	_ = 	snop  }
0x6: {  	_ = 	snop  }
0x7: {  	_ = 	snop  }
__scs_overlays_trampoline_lowered:
0x8: {  	[smem:$0x3FA3] =	sst s0  }
0x9: {  	[smem:$0x3FA4] =	sst s1  }
0xa: {  	[smem:$0x3FA5] =	sst s2  }
0xb: {  	[smem:$0x3FA6] =	sst s3  }
0xc: {  	[smem:$0x3FA7] =	sst s4  }
0xd: {  	[smem:$0x3FA8] =	sst s5  }
0xe: {  	[smem:$0x3FA9] =	sst s6  }
0xf: {  	[smem:$0x3FAA] =	sst s7  }
0x10: {  	[smem:$0x3FAB] =	sst s8  }
0x11: {  	[smem:$0x3FAC] =	sst s9;
	s0 =	simm.s32 @!p0 $0x0  }
0x12: {  	s1 =	sld [smem:$0x3F92];
	s0 =	simm.s32 @p0 $0x1  }
0x13: {  	[smem:$0x3FAD] =	sst s0;
	s0 =	simm.s32 @!p1 $0x0  }
0x14: {  	s2 =	sld [smem:$0x3F91];
	s0 =	simm.s32 @p1 $0x1  }
0x15: {  	[smem:$0x3FAE] =	sst s0;
	s0 =	simm.s32 @!p2 $0x0  }
0x16: {  	s3 =	sld [smem:$0x3FDB];
	s0 =	simm.s32 @p2 $0x1  }
0x17: {  	s4 =	simm.s32 $0x1BF5;
	[smem:$0x3FB0] =	sst s0  }
0x18: {  	s0 =	sld [smem:$0x3F93];
	_ =	swait.ge [sflag:s4], $0x0  }
0x19: {  	s7 =	sld [smem:$0x3F94]  }
0x1a: {  	s8 =	sadd.s32 $0xFFFFE003, lr  }
0x1b: {  	s9 =	sadd.s32 $0xFFFFFEF7, lr;
	s5 =	simm.s32 $0xFFFFFFFF;
	p2 =	slt.u32 s8, $0xFFFFF086  }
0x1c: {  	p1 =	slt.u32 s9, $0xF7A;
	s5 =	simm.s32 @!p2 $0x0  }
0x1d: {  	s5 =	simm.s32 @p1 $0x1;
	p0 =	seq.s32 s7, s2  }
0x1e: {  	s7 =	smul.u32 @!p0 $0xF7A, s2;
	p2 =	seq.s32 @!p0 s5, $0x0  }
0x1f: {  	s9 =	smul.u32 $0xF7A, s1;
	s8 =	simm.s32 @!p0 $0x1BF5;
	p2 =	por !p2, p0  }
0x20: {  	[sflag:s8] =	ssyncset.s32 @!p0 $0xFFFFF086;
	s6 =	sadd.s32 @!p0 s3, s7;
	s7 =	simm.s32 @!p0 $0x108  }
0x21: {  	s3 =	sadd.s32 s3, s9;
	s6 =	sadd.s32 @!p0 $0x88, s6;
	s7 =	simm.s32 @p2 $0x1082  }
0x22: {  	[simem:s7], [sflag:s8] =	dma.local @!p0 [hbm:s6], $0xF7A  }
0x23: {  	s9 =	sor.u32 $0xD0000000, s2;
	s6 =	simm.s32 $0x108;
	_ =	swait.ge @!p0 [sflag:s8], $0x0  }
0x24: {  	s3 =	sadd.s32 $0x88, s3;
	s6 =	simm.s32 @!p1 $0x1082;
	[sflag:s4] =	ssyncset.s32 $0xFFFFF086  }
0x25: {  	[simem:s6], [sflag:s4] =	dma.local [hbm:s3], $0xF7A  }
0x26: {  	[smem:$0x3F94] =	sst s1;
	(tag) =	ssettag s2;
	_ =	strace s9  }
0x27: {  	s1 =	sld [smem:$0x3FA4]  }
0x28: {  	s2 =	sld [smem:$0x3FA5]  }
0x29: {  	s4 =	sld [smem:$0x3FA7]  }
0x2a: {  	p0 =	seq.s32 s5, $0x0;
	s5 =	sld [smem:$0x3FA8]  }
0x2b: {  	s6 =	sld [smem:$0x3FA9]  }
0x2c: {  	s7 =	sld [smem:$0x3FAA]  }
0x2d: {  	s3 =	simm.s32 $0x108;
	s8 =	sld [smem:$0x3FAB]  }
0x2e: {  	s3 =	simm.s32 @!p0 $0x1082;
	s9 =	sld [smem:$0x3FAC]  }
0x2f: {  	lr =	sadd.s32 s0, s3;
	s0 =	sld [smem:$0x3FA3]  }
0x30: {  	s3 =	sld [smem:$0x3FA6]  }
0x31: {  	[smem:$0x3FAF] =	sst s10  }
0x32: {  	s10 =	sld [smem:$0x3FAD];
	_ =	sdelay $0x3  }
0x33: {  	p0 =	seq.s32 s10, $0x1;
	s10 =	sld [smem:$0x3FAF];
	_ =	sdelay $0x3  }
0x34: {  	[smem:$0x3FAF] =	sst s10  }
0x35: {  	s10 =	sld [smem:$0x3FAE];
	_ =	sdelay $0x3  }
0x36: {  	p1 =	seq.s32 s10, $0x1;
	s10 =	sld [smem:$0x3FAF];
	_ =	sdelay $0x3  }
0x37: {  	[smem:$0x3FAF] =	sst s10  }
0x38: {  	s10 =	sld [smem:$0x3FB0]  }
0x39: {  	_ = 	snop;
	(pc) =	sbr.ind lr, $3  }
0x3a: {  	_ = 	snop  }
0x3b: {  	_ = 	snop  }
0x3c: {  	p2 =	seq.s32 s10, $0x1;
	s10 =	sld [smem:$0x3FAF]  }
0x3d: {  	_ =	shalt  }
0x3e: {  	_ =	shalt  }
0x3f: {  	_ =	shalt  }
0x40: {  	_ =	shalt  }
0x41: {  	_ =	shalt  }
0x42: {  	_ =	shalt  }
0x43: {  	_ =	shalt  }
0x44: {  	_ =	shalt  }
0x45: {  	_ =	shalt  }
0x46: {  	_ =	shalt  }
0x47: {  	_ =	shalt  }
0x48: {  	_ =	shalt  }
0x49: {  	_ =	shalt  }
0x4a: {  	_ =	shalt  }
0x4b: {  	_ =	shalt  }
0x4c: {  	_ =	shalt  }
0x4d: {  	_ =	shalt  }
0x4e: {  	_ =	shalt  }
0x4f: {  	_ =	shalt  }
0x50: {  	_ =	shalt  }
0x51: {  	_ =	shalt  }
0x52: {  	_ =	shalt  }
0x53: {  	_ =	shalt  }
0x54: {  	_ =	shalt  }
0x55: {  	_ =	shalt  }
0x56: {  	_ =	shalt  }
0x57: {  	_ =	shalt  }
0x58: {  	_ =	shalt  }
0x59: {  	_ =	shalt  }
0x5a: {  	_ =	shalt  }
0x5b: {  	_ =	shalt  }
0x5c: {  	_ =	shalt  }
0x5d: {  	_ =	shalt  }
0x5e: {  	_ =	shalt  }
0x5f: {  	_ =	shalt  }
0x60: {  	_ =	shalt  }
0x61: {  	_ =	shalt  }
0x62: {  	_ =	shalt  }
0x63: {  	_ =	shalt  }
0x64: {  	_ =	shalt  }
0x65: {  	_ =	shalt  }
0x66: {  	_ =	shalt  }
0x67: {  	_ =	shalt  }
0x68: {  	_ =	shalt  }
0x69: {  	_ =	shalt  }
0x6a: {  	_ =	shalt  }
0x6b: {  	_ =	shalt  }
0x6c: {  	_ =	shalt  }
0x6d: {  	_ =	shalt  }
0x6e: {  	_ =	shalt  }
0x6f: {  	_ =	shalt  }
0x70: {  	_ =	shalt  }
0x71: {  	_ =	shalt  }
0x72: {  	_ =	shalt  }
0x73: {  	_ =	shalt  }
0x74: {  	_ =	shalt  }
0x75: {  	_ =	shalt  }
0x76: {  	_ =	shalt  }
0x77: {  	_ =	shalt  }
0x78: {  	_ =	shalt  }
0x79: {  	_ =	shalt  }
0x7a: {  	_ =	shalt  }
0x7b: {  	_ =	shalt  }
0x7c: {  	_ =	shalt  }
0x7d: {  	_ =	shalt  }
0x7e: {  	_ =	shalt  }
0x7f: {  	_ =	shalt  }
0x80: {  	_ =	shalt  }
0x81: {  	_ =	shalt  }
0x82: {  	_ =	shalt  }
0x83: {  	_ =	shalt  }
0x84: {  	_ =	shalt  }
0x85: {  	_ =	shalt  }
0x86: {  	_ =	shalt  }
0x87: {  	_ =	shalt  }
.Lfunc_end0:
.L_simem_size_0:
called_computation_lowered:
.L_overlay_start_0:
0x88: {  	s2 =	sld [smem:$0x3FD9]  }
0x89: {  	s3 =	sld [smem:$0x3FFE];
	_ =	sdelay $0x1  }
0x8a: {  	s1 =	srdreg.scid  }
0x8b: {  	s0 =	sand.u32 $0x1, s1  }
0x8c: {  	s17 =	sshll.u32 s0, $0xA;
	s2 =	sadd.s32 s3, s2  }
0x8d: {  	s2 =	sadd.s32 s2, s17  }
0x8e: {  	[smem:$0x3FBB] =	sst s2  }
0x8f: {  	_ = 	snop  }
0x90: {  	s2 =	sld [smem:$0x3FC8]  }
0x91: {  	s18 =	sld [smem:$0x3FC7];
	(tm) =	ssettm $0x1  }
0x92: {  	s4 =	sld [smem:$0x3FFB];
	_ =	sdelay $0x3  }
0x93: {  	_ =	strace s4  }
0x94: {  	s4 =	sld [smem:$0x3FFC];
	_ =	sdelay $0x3  }
0x95: {  	_ =	strace s4  }
0x96: {  	s4 =	sld [smem:$0x3FFD];
	_ =	sdelay $0x3  }
0x97: {  	_ =	strace s4  }
0x98: {  	_ =	strace $0x8FFFFFFF  }
0x99: {  	s19 =	sld [smem:$0x3FDB];
	_ =	sdelay $0x1  }
0x9a: {  	s5 =	simm.s32 $_scs_section_size  }
0x9b: {  	s6 =	simm.s32 $_size__tile_overlayer_lowered;
	s7 =	simm.s32 $_tile_overlayer_lowered  }
0x9c: {  	s22 =	simm.s32 $0x1BFF;
	s21 =	sshll.u32 s7, $0x1;
	s4 =	sadd.s32 s5, s19  }
0x9d: {  	s8 =	simm.s32 $0x0;
	s20 =	sshll.u32 s6, $0x1;
	s6 =	sadd.s32 s21, s4  }
0x9e: {  	[timem:s8], [sflag:s22] =	dma.local [hbm:s6], s20  }
0x9f: {  	_ =	swait.ge [sflag:s22], s20  }
0xa0: {  	s5 =	ssub.s32 $0x0, s20;
	[sflag:s22] =	ssyncset.done $0x0  }
0xa1: {  	[sflag:s22] =	ssyncadd.s32 s5;
	_ =	sdelay $0x1  }
0xa2: {  	s23 =	simm.s32 $0x1B8B  }
0xa3: {  	_ =	swait.ge [sflag:s23], $0x1  }
0xa4: {  	[sflag:s23] =	ssyncset.done $0x0  }
0xa5: {  	s25 =	simm.s32 $0x1B8E;
	s24 =	sld [smem:$0x3FFE];
	[sflag:s23] =	ssyncadd.s32 $0xFFFFFFFF  }
0xa6: {  	s26 =	simm.s32 $execute0_lowered;
	[smem:$0x3FD2] =	sst s25  }
0xa7: {  	s6 =	sshll.u32 s26, $0x1;
	_ =	strace $0x80000046;
	[dreg:$0x1] =	wrdreg $0xFFFFFFFF  }
0xa8: {  	s28 =	simm.s32 $_size_execute0_lowered;
	s4 =	sadd.s32 s4, s6;
	[dreg:$0x0] =	wrdreg $0x0  }
0xa9: {  	s6 =	sshll.u32 s28, $0x1;
	[dreg:$0x2] =	wrdreg s4  }
0xaa: {  	[dreg:$0x3] =	wrdreg s6  }
0xab: {  	[dreg:$0x4] =	wrdreg $0xC0  }
0xac: {  	_ =	task [dreg:s8], $0x5FFFF  }
0xad: {  	[dreg:$0x1] =	wrdreg $0xFFFFFFFF  }
0xae: {  	[dreg:$0x0] =	wrdreg $0x60  }
0xaf: {  	[dreg:$0x2] =	wrdreg s18  }
0xb0: {  	[dreg:$0x3] =	wrdreg s2  }
0xb1: {  	[dreg:$0x4] =	wrdreg s24  }
0xb2: {  	[dreg:$0x5] =	wrdreg $0x9  }
0xb3: {  	_ =	task.clear_ibuf [dreg:s8], $0x6FFFF;
	_ =	strace $0x90000046  }
0xb4: {  	s29 =	simm.s32 $0x9;
	_ =	strace $0x80000048  }
0xb5: {  	_ =	swait.ge [sflag:s29], $0x1  }
0xb6: {  	[sflag:s29] =	ssyncadd.s32 $0xFFFFFFFF  }
0xb7: {  	_ =	strace $0x90000048  }
0xb8: {  	_ =	sfence  }
0xb9: {  	s30 =	sld [smem:$0x0];
	_ =	sdelay $0x2  }
0xba: {  	s31 =	sshll.u32 s1, $0xD;
	s1 =	sshrl.u32 s1, $0x2  }
0xbb: {  	s3 =	sand.u32 $0x4000, s31;
	s1 =	sadd.s32 s1, s30  }
0xbc: {  	s0 =	sor.u32 s3, s0;
	s1 =	sshll.u32 s1, $0x11  }
0xbd: {  	s0 =	sor.u32 s1, s0  }
0xbe: {  	s0 =	sadd.s32 $0x8F2B, s0  }
0xbf: {  	[sflag:s0] =	ssyncadd.remote.s32 $0x1  }
0xc0: {  	_ =	sfence.sel $0xFFFF  }
0xc1: {  	[dreg:$0x0] =	wrdreg $0xFFFFFFFF;
	(pc) =	sbr.abs _section_cstart, $3  }
0xc2: {  	[dreg:$0x1] =	wrdreg $0xFFFFFFFF  }
0xc3: {  	_ =	task.clear_ibuf [dreg:s8], $0x2FFFF;
	_ =	strace $0x9FFFFFFF  }
0xc4: {  	(tm) =	ssettm $0x7FFFFFFF  }
0xc5: {  	_ =	shalt  }
tec
execute0_lowered:
.L_overlay_start_1:
0x0: {  	(tag) =	ssettag $0x1  }
0x1: {  	s1 =	rddreg [dreg:$0x0]  }
0x2: {  	s9 =	rddreg [dreg:$0x1]  }
0x3: {  	s7 =	rddreg [dreg:$0x2]  }
0x4: {  	s0 =	rddreg [dreg:$0x3]  }
0x5: {  	s3 =	simm.s32 $0x0;
	s4 =	srdreg.scid;
	s2 =	stileid.u32  }
0x6: {  	s14 =	simm.s32 $0x18700;
	s15 =	simm.s32 $0x2;
	s16 =	simm.s32 $0x1  }
0x7: {  	s17 =	simm.s32 $0x19700;
	s18 =	simm.s32 $0x3;
	s19 =	simm.s32 $0x4  }
0x8: {  	s20 =	simm.s32 $0x0;
	s5 =	sand.u32 $0x1, s4;
	s30 =	sshll.u32 s2, $0x1  }
0x9: {  	[smem:$0x7FF] =	sst s3;
	s4 =	sadd.s32 $0x2400, s7;
	s6 =	sor.u32 s5, s30  }
0xa: {  	s8 =	sshll.u32 s2, $0xA;
	s31 =	ssub.s32 $0x2, s5;
	s5 =	smul.u32 $0xD, s6  }
0xb: {  	p0 =	sgt.u32 s2, $0xC;
	_ =	strace $0x80000047;
	s12 =	smul.u32 $0x30E0, s6  }
.Ltmp0:
0xc: {  	s10 =	sshll.u32 s6, $0x4;
	s11 =	sshrl.u32 s31, $0x1;
	(pc) =	sbr.rel .LBB2_1-.Ltmp0, $4  }
0xd: {  	s6 =	sadd.s32 $0x6400, s7;
	s8 =	sor.u32 s8, s10;
	s11 =	ssub.s32 s31, s11  }
0xe: {  	s8 =	sand.u32 $0x3070, s8;
	s9 =	sadd.s32 s9, s12;
	s11 =	smax.u32 s11, $0x1  }
0xf: {  	s12 =	simm.s32 $0x80;
	s13 =	sadd.s32 s8, s7;
	s7 =	sadd.s32 $0xD, s5  }
0x10: {  	s8 =	sadd.s32 s4, s8;
	s10 =	sadd.s32 $0x3A400, s13;
	s13 =	simm.s32 $0x400  }
.LBB2_9:
0x11: {  	s20 =	sadd.s32 $0x1, s20  }
0x12: {  	p1 =	sne.s32 s20, s11  }
.Ltmp1:
0x13: {  	_ = 	snop;
	(pc) =	sbr.rel @!p1 .LBB2_10-.Ltmp1, $1  }
0x14: {  	_ =	sdelay $0x3  }
.LBB2_1:
0x15: {  	s21 =	smov.u32 s5  }
.LBB2_2:
0x16: {  	s22 =	sshll.u32 s21, $0x8;
	s23 =	sshll.u32 s21, $0x3  }
0x17: {  	s22 =	sand.u32 $0xFFFF8000, s22;
	s23 =	sand.u32 $0x380, s23  }
0x18: {  	s22 =	sor.u32 s23, s22  }
0x19: {  	s22 =	sshrl.u32 s22, $0x3  }
0x1a: {  	s22 =	sadd.s32 s4, s22  }
0x1b: {  	[tilespmem:s14], [sflag:$0x2] =	stream.strided.gather [hbm4b:s22+s12], $0x1000, s13, s12, $0x38;
	[tilespmem:$0x1A700] =	vst v63  }
0x1c: {  	s22 =	sshrl.u32 s21, $0x3  }
0x1d: {  	s31 =	sshll.u32 s21, $0x7;
	s24 =	smul.u32 $0xC3800, s22  }
0x1e: {  	s23 =	sand.u32 $0x380, s31  }
0x1f: {  	s24 =	sor.u32 s23, s24  }
0x20: {  	s24 =	sshrl.u32 s24, $0x3  }
0x21: {  	s24 =	sadd.s32 s1, s24  }
0x22: {  	[tilespmem:s3], [sflag:$0x1] =	stream.strided.gather [hbm4b:s24+s12], $0x18700, s13, s12, $0x38;
	[tilespmem:$0x1A700] =	vst v63  }
0x23: {  	_ =	swait.ge [sflag:s15], $0x1000  }
0x24: {  	[sflag:s15] =	ssyncset.done $0x0  }
0x25: {  	[sflag:s15] =	ssyncadd.s32 $0xFFFFF000  }
0x26: {  	_ =	swait.ge [sflag:s16], $0x18700  }
0x27: {  	p1 =	sle.u32 s21, s5;
	[sflag:s16] =	ssyncset.done $0x0  }
0x28: {  	s24 =	simm.s32 @!p1 $0x3;
	[sflag:s16] =	ssyncadd.s32 $0xFFFE7900  }
0x29: {  	_ =	swait.ge @!p1 [sflag:s24], $0x1000  }
0x2a: {  	[sflag:s24] =	ssyncset.done @!p1 $0x0  }
0x2b: {  	[sflag:s24] =	ssyncadd.s32 @!p1 $0xFFFFF000;
	s24 =	simm.s32 $0x0  }
0x2c: {  	v0 =	vld [tilespmem:s24+$0x18700];
	_ =	sdelay $0x7  }
0x2d: {  	s25 =	simm.s32 $0x10;
	s26 =	simm.s32 $0x80;
	v0 =	vld.idx.msk [tilespmem:v0+s3+$0x0], $0xffff  }
.LBB2_3:
0x2e: {  	p1 =	sne.s32 s26, $0x3FC0;
	v1 =	vld [tilespmem:s25+$0x18700];
	_ =	sdelay $0x3  }
.Ltmp2:
0x2f: {  	(pc) =	sbr.rel @p1 .LBB2_3-.Ltmp2, $2  }
0x30: {  	[tilespmem:s24+$0x19700] =	vst v0;
	s24 =	smov.u32 s25;
	_ =	sdelay $0x2  }
0x31: {  	s25 =	sshra.s32 s26, $0x2;
	s26 =	sadd.s32 $0x40, s26;
	v0 =	vld.idx.msk [tilespmem:v1+s3+$0x0], $0xffff  }
0x32: {  	v1 =	vld [tilespmem:s25+$0x18700];
	_ =	sdelay $0x6  }
0x33: {  	[tilespmem:s24+$0x19700] =	vst v0  }
0x34: {  	s21 =	sadd.s32 $0x1, s21;
	v0 =	vld.idx.msk [tilespmem:v1+s3+$0x0], $0xffff  }
0x35: {  	p1 =	slt.u32 s21, s7  }
.Ltmp3:
0x36: {  	s22 =	sshll.u32 s22, $0xF;
	(pc) =	sbr.rel @p1 .LBB2_2-.Ltmp3, $4  }
0x37: {  	s22 =	sor.u32 s23, s22  }
0x38: {  	s22 =	sshrl.u32 s22, $0x3  }
0x39: {  	s22 =	sadd.s32 s6, s22;
	[tilespmem:s25+$0x19700] =	vst v0  }
0x3a: {  	[hbm4b:s22+s12] =	stream.strided.scatter [tilespmem:s17], [sflag:$0x3], $0x1000, s13, s12, $0x38;
	[tilespmem:$0x1A700] =	vst v63  }
.Ltmp4:
0x3b: {  	(pc) =	sbr.rel @p0 .LBB2_9-.Ltmp4, $4  }
0x3c: {  	_ = 	snop  }
0x3d: {  	_ =	swait.ge [sflag:s18], $0x1000  }
0x3e: {  	[sflag:s18] =	ssyncset.done $0x0  }
0x3f: {  	[sflag:s18] =	ssyncadd.s32 $0xFFFFF000  }
0x40: {  	[tilespmem:s14], [sflag:$0x2] =	stream.strided.gather [hbm4b:s8+s12], $0x1000, s13, s12, $0x38;
	[tilespmem:$0x1A700] =	vst v63  }
0x41: {  	s21 =	simm.s32 $0x0  }
0x42: {  	[tilespmem:s21], [sflag:$0x1] =	stream.linear.gather [hbm4b:s9+s21], $0x18700, $0x38;
	[tilespmem:$0x1A700] =	vst v63  }
0x43: {  	_ =	swait.ge [sflag:s15], $0x1000  }
0x44: {  	[sflag:s15] =	ssyncset.done $0x0  }
0x45: {  	[sflag:s15] =	ssyncadd.s32 $0xFFFFF000  }
0x46: {  	_ =	swait.ge [sflag:s16], $0x18700  }
0x47: {  	[sflag:s16] =	ssyncset.done $0x0  }
0x48: {  	s21 =	simm.s32 $0x0;
	[sflag:s16] =	ssyncadd.s32 $0xFFFE7900  }
0x49: {  	v0 =	vld [tilespmem:s21+$0x18700];
	_ =	sdelay $0x7  }
0x4a: {  	s22 =	simm.s32 $0x10;
	s23 =	simm.s32 $0x80;
	v0 =	vld.idx.msk [tilespmem:v0+s3+$0x0], $0xffff  }
.LBB2_7:
0x4b: {  	p1 =	sne.s32 s23, $0x3FC0;
	v1 =	vld [tilespmem:s22+$0x18700];
	_ =	sdelay $0x3  }
.Ltmp5:
0x4c: {  	(pc) =	sbr.rel @p1 .LBB2_7-.Ltmp5, $2  }
0x4d: {  	[tilespmem:s21+$0x19700] =	vst v0;
	s21 =	smov.u32 s22;
	_ =	sdelay $0x2  }
0x4e: {  	s22 =	sshra.s32 s23, $0x2;
	s23 =	sadd.s32 $0x40, s23;
	v0 =	vld.idx.msk [tilespmem:v1+s3+$0x0], $0xffff  }
0x4f: {  	v1 =	vld [tilespmem:s22+$0x18700];
	_ =	sdelay $0x6  }
0x50: {  	[tilespmem:s21+$0x19700] =	vst v0  }
0x51: {  	v0 =	vld.idx.msk [tilespmem:v1+s3+$0x0], $0xffff;
	_ =	sdelay $0x4  }
.Ltmp6:
0x52: {  	[tilespmem:s22+$0x19700] =	vst v0;
	(pc) =	sbr.rel .LBB2_9-.Ltmp6, $4  }
0x53: {  	[hbm4b:s10+s12] =	stream.strided.scatter [tilespmem:s17], [sflag:$0x4], $0x1000, s13, s12, $0x38;
	[tilespmem:$0x1A700] =	vst v63  }
0x54: {  	_ =	swait.ge [sflag:s19], $0x1000  }
0x55: {  	[sflag:s19] =	ssyncset.done $0x0  }
0x56: {  	[sflag:s19] =	ssyncadd.s32 $0xFFFFF000  }
.LBB2_10:
0x57: {  	_ =	sfence.sel $0x180000  }
0x58: {  	[bflag:$0x0] =	sbarrier.arrive $0xFFFF  }
0x59: {  	p0 =	sne.s32 s2, $0x0;
	_ =	strace $0x90000047  }
0x5a: {  	s0 =	sadd.s32 @!p0 $0x100000, s0;
	[bflag:$0x2] =	sbarrier.arrive $0xFFFF  }
0x5b: {  	[sflag:s0] =	ssyncadd.tile.s32 @!p0 $0x1;
	_ =	shalt  }
.Lfunc_end2:
_tile_overlayer_lowered:
.L_overlay_start_2:
0x5c: {  	(tag) =	ssettag $0x2  }
0x5d: {  	s0 =	rddreg [dreg:$0x0];
	s2 =	stileid.u32  }
0x5e: {  	s1 =	rddreg [dreg:$0x1];
	p0 =	sne.s32 s2, $0x0  }
0x5f: {  	s3 =	rddreg [dreg:$0x2];
	[bflag:$0x3] =	sbarrier.arrive $0xFFFF;
	s2 =	simm.s32 @!p0 $0x1C04  }
0x60: {  	[timem:s3], [sflag:s2] =	dma.local @!p0 [hbm:s0], s1  }
0x61: {  	s0 =	simm.s32 @!p0 $0x4  }
0x62: {  	_ =	swait.ge @!p0 [sflag:s0], s1  }
0x63: {  	s1 =	ssub.s32 @!p0 $0x0, s1;
	[sflag:s0] =	ssyncset.done @!p0 $0x0  }
0x64: {  	[sflag:s0] =	ssyncadd.s32 @!p0 s1  }
0x65: {  	[bflag:$0x3] =	sbarrier.arrive $0xFFFF  }
0x66: {  	_ =	shalt  }

</sc_bundles>
